<compile_context>
chip_gen: v7x
topology: tpu7x:2x2x1
jax: 0.10.2.dev20260603
libtpu: 0.0.44.dev20260713+nightly
codegen_flags: <defaults>
</compile_context>

<pallas_src>
import functools

import jax
import jax.numpy as jnp
from jax import lax
from jax.experimental import pallas as pl
from jax.experimental.pallas import tpu as pltpu
from jax.experimental.pallas import tpu_sc as plsc

_N, _C, _Q, _K, _G = 50000, 128, 8192, 16, 8
_S, _J = 16, 3200
_NP = _S * _J
_BIG = 1e9
_QB = 512
_QBE = 128
_QBA = 256
_NR = 4096


def _dot(a, b):
    return lax.dot_general(a, b, (((a.ndim - 1,), (0,)), ((), ())),
                           preferred_element_type=jnp.float32)



def _pre_body(feat_ref, coord_ref, Wk_ref, bk_ref, Wv_ref, bv_ref, Ww1_ref,
              t16_ref, val_ref):
    f = feat_ref[...]
    kh = jnp.maximum(_dot(f, Wk_ref[...]) + bk_ref[...], 0.0)
    kw = _dot(kh, Ww1_ref[...])
    c = coord_ref[...]
    b2 = jnp.sum(c * c, axis=1, keepdims=True)
    z = jnp.zeros((f.shape[0], 4), jnp.float32)
    t16_ref[...] = jnp.concatenate([kw, c, b2, z], axis=1)
    val_ref[...] = _dot(f, Wv_ref[...]) + bv_ref[...]


def _precompute(feat, coord, Wk, bk, Wv, bv, Ww1):
    grid = pl.cdiv(_N, _NR)
    full = lambda i: (0, 0)
    return pl.pallas_call(
        _pre_body,
        grid=(grid,),
        in_specs=[
            pl.BlockSpec((_NR, _C), lambda i: (i, 0)),
            pl.BlockSpec((_NR, 3), lambda i: (i, 0)),
            pl.BlockSpec((_C, _C), full),
            pl.BlockSpec((1, _C), full),
            pl.BlockSpec((_C, _C), full),
            pl.BlockSpec((1, _C), full),
            pl.BlockSpec((_C, _G), full),
        ],
        out_specs=[
            pl.BlockSpec((_NR, 16), lambda i: (i, 0)),
            pl.BlockSpec((_NR, _C), lambda i: (i, 0)),
        ],
        out_shape=[jax.ShapeDtypeStruct((_N, 16), jnp.float32),
                   jax.ShapeDtypeStruct((_N, _C), jnp.float32)],
    )(feat, coord, Wk, bk.reshape(1, -1), Wv, bv.reshape(1, -1), Ww1)



def _sc_gather_rows(table, idx, chunk):
    V, D = table.shape
    B = idx.shape[0]
    info = plsc.get_sparse_core_info()
    nw = info.num_cores * info.num_subcores
    bpw = B // nw
    nchunk = bpw // chunk
    assert bpw % chunk == 0 and B % nw == 0
    mesh = plsc.VectorSubcoreMesh(core_axis_name="c", subcore_axis_name="s")

    @functools.partial(
        pl.kernel, mesh=mesh,
        out_type=jax.ShapeDtypeStruct((B, D), jnp.float32),
        compiler_params=pltpu.CompilerParams(use_tc_tiling_on_sc=False),
        scratch_types=[
            pltpu.VMEM((chunk,), jnp.int32),
            pltpu.VMEM((chunk, D), jnp.float32),
            pltpu.SemaphoreType.DMA,
        ],
    )
    def gk(table_hbm, idx_hbm, out_hbm, idx_v, rows_v, sem):
        wid = lax.axis_index("s") * info.num_cores + lax.axis_index("c")
        base = wid * bpw

        def body(i, carry):
            off = base + i * chunk
            pltpu.sync_copy(idx_hbm.at[pl.ds(off, chunk)], idx_v)
            pltpu.async_copy(table_hbm.at[idx_v], rows_v, sem).wait()
            pltpu.sync_copy(rows_v, out_hbm.at[pl.ds(off, chunk)])
            return carry

        lax.fori_loop(0, nchunk, body, 0)

    return gk(table, idx)


def _sc_gather_pair(tableA, tableB, idx, chunk):
    VA, DA = tableA.shape
    VB, DB = tableB.shape
    B = idx.shape[0]
    info = plsc.get_sparse_core_info()
    nw = info.num_cores * info.num_subcores
    bpw = B // nw
    nchunk = bpw // chunk
    assert bpw % chunk == 0 and B % nw == 0
    mesh = plsc.VectorSubcoreMesh(core_axis_name="c", subcore_axis_name="s")

    @functools.partial(
        pl.kernel, mesh=mesh,
        out_type=[jax.ShapeDtypeStruct((B, DA), jnp.float32),
                  jax.ShapeDtypeStruct((B, DB), jnp.float32)],
        compiler_params=pltpu.CompilerParams(use_tc_tiling_on_sc=False),
        scratch_types=[
            pltpu.VMEM((chunk,), jnp.int32),
            pltpu.VMEM((chunk, DA), jnp.float32),
            pltpu.VMEM((chunk, DB), jnp.float32),
            pltpu.SemaphoreType.DMA,
            pltpu.SemaphoreType.DMA,
        ],
    )
    def gk(ta_hbm, tb_hbm, idx_hbm, outa_hbm, outb_hbm, idx_v, rowsa_v,
           rowsb_v, sema, semb):
        wid = lax.axis_index("s") * info.num_cores + lax.axis_index("c")
        base = wid * bpw

        def body(i, carry):
            off = base + i * chunk
            pltpu.sync_copy(idx_hbm.at[pl.ds(off, chunk)], idx_v)
            cpa = pltpu.async_copy(ta_hbm.at[idx_v], rowsa_v, sema)
            cpb = pltpu.async_copy(tb_hbm.at[idx_v], rowsb_v, semb)
            cpa.wait()
            pltpu.sync_copy(rowsa_v, outa_hbm.at[pl.ds(off, chunk)])
            cpb.wait()
            pltpu.sync_copy(rowsb_v, outb_hbm.at[pl.ds(off, chunk)])
            return carry

        lax.fori_loop(0, nchunk, body, 0)

    return gk(tableA, tableB, idx)


def _sc_gather_1d(table, idx, chunk):
    (V,) = table.shape
    B = idx.shape[0]
    info = plsc.get_sparse_core_info()
    nw = info.num_cores * info.num_subcores
    bpw = B // nw
    nchunk = bpw // chunk
    assert bpw % chunk == 0 and B % nw == 0
    mesh = plsc.VectorSubcoreMesh(core_axis_name="c", subcore_axis_name="s")

    @functools.partial(
        pl.kernel, mesh=mesh,
        out_type=jax.ShapeDtypeStruct((B,), jnp.float32),
        compiler_params=pltpu.CompilerParams(use_tc_tiling_on_sc=False),
        scratch_types=[
            pltpu.VMEM((chunk,), jnp.int32),
            pltpu.VMEM((chunk,), jnp.float32),
            pltpu.SemaphoreType.DMA,
        ],
    )
    def gk(table_hbm, idx_hbm, out_hbm, idx_v, vals_v, sem):
        wid = lax.axis_index("s") * info.num_cores + lax.axis_index("c")
        base = wid * bpw

        def body(i, carry):
            off = base + i * chunk
            pltpu.sync_copy(idx_hbm.at[pl.ds(off, chunk)], idx_v)
            pltpu.async_copy(table_hbm.at[idx_v], vals_v, sem).wait()
            pltpu.sync_copy(vals_v, out_hbm.at[pl.ds(off, chunk)])
            return carry

        lax.fori_loop(0, nchunk, body, 0)

    return gk(table, idx)



def _knn_body(qt_ref, ct_ref, d_ref, jsel_ref, gmin_ref):
    s = pl.program_id(1)
    q = qt_ref[...]
    ii = lax.broadcasted_iota(jnp.int32, (1, 16), 1)
    selx = ((ii >= 8) & (ii < 11)).astype(jnp.float32)
    qsel = q * selx
    q2 = jnp.sum(qsel * qsel, axis=1, keepdims=True)
    cts = ct_ref[...]
    t = _dot(qsel, cts)
    b2s = cts[11:12, :]
    d = (q2 + b2s) - 2.0 * t
    d_ref[...] = d.reshape(_QB * _J // 128, 128)
    gmin_ref[...] = jnp.where(s == 0, d,
                              jnp.minimum(gmin_ref[...], d))

    @pl.when(s == _S - 1)
    def _extract():
        gmin = gmin_ref[...]
        lane = lax.broadcasted_iota(jnp.int32, (_QB, _J), 1)
        col = lax.broadcasted_iota(jnp.int32, (_QB, 16), 1)
        out = jnp.zeros((_QB, 16), jnp.int32)

        def ext(i, carry):
            gmin, out = carry
            m = jnp.min(gmin, axis=1, keepdims=True)
            jm = jnp.min(jnp.where(gmin == m, lane, jnp.int32(2 ** 30)),
                         axis=1, keepdims=True)
            out = jnp.where(col == i, jm, out)
            gmin = jnp.where(lane == jm, _BIG, gmin)
            return gmin, out

        _, out = lax.fori_loop(0, 16, ext, (gmin, out))
        jsel_ref[...] = out


def _knn_groups(qt16, ct):
    return pl.pallas_call(
        _knn_body,
        grid=(_Q // _QB, _S),
        in_specs=[
            pl.BlockSpec((_QB, 16), lambda i, s: (i, 0)),
            pl.BlockSpec((16, _J), lambda i, s: (0, s)),
        ],
        out_specs=[
            pl.BlockSpec((_QB * _J // 128, 128),
                         lambda i, s: (s * (_Q // _QB) + i, 0)),
            pl.BlockSpec((_QB, 16), lambda i, s: (i, 0)),
        ],
        out_shape=[jax.ShapeDtypeStruct((_S * _Q * _J // 128, 128), jnp.float32),
                   jax.ShapeDtypeStruct((_Q, 16), jnp.int32)],
        scratch_shapes=[pltpu.VMEM((_QB, _J), jnp.float32)],
    )(qt16, ct)



def _final_body(cd_ref, candp_ref, idx_ref):
    d2 = cd_ref[...]
    p = candp_ref[...]
    col = lax.broadcasted_iota(jnp.int32, (_QBE, 16), 1)
    out = jnp.zeros((_QBE, 16), jnp.int32)

    def ext(i, carry):
        d2, out = carry
        m = jnp.min(d2, axis=1, keepdims=True)
        pm = jnp.min(jnp.where(d2 == m, p, jnp.int32(2 ** 30)),
                     axis=1, keepdims=True)
        out = jnp.where(col == i, pm, out)
        d2 = jnp.where(p == pm, _BIG, d2)
        return d2, out

    _, out = lax.fori_loop(0, 16, ext, (d2, out))
    idx_ref[...] = out


def _final_topk(cdv, candp):
    blk = lambda i: (i, 0)
    return pl.pallas_call(
        _final_body,
        grid=(_Q // _QBE,),
        in_specs=[
            pl.BlockSpec((_QBE, _S * 16), blk),
            pl.BlockSpec((_QBE, _S * 16), blk),
        ],
        out_specs=pl.BlockSpec((_QBE, 16), blk),
        out_shape=jax.ShapeDtypeStruct((_Q, 16), jnp.int32),
    )(cdv, candp)



def _att_body(qf_ref, qt_ref, g16_ref, gval_ref, Wq_ref, bq_ref, Wp1e_ref,
              bp1_ref, Wp2_ref, bp2_ref, Ww1_ref, bw1_ref, Ww2_ref, bw2_ref,
              Wo_ref, bo_ref, out_ref):
    B = _QBA
    BK = B * _K
    qf = qf_ref[...]
    qh = jnp.maximum(_dot(qf, Wq_ref[...]) + bq_ref[...], 0.0)
    qW = _dot(qh, Ww1_ref[...])
    q16 = qt_ref[...]
    g = g16_ref[...]
    q16b = jnp.broadcast_to(q16[:, None, :], (B, _K, 16)).reshape(BK, 16)
    rel = g - q16b
    ph = jnp.maximum(_dot(rel, Wp1e_ref[...]) + bp1_ref[...], 0.0)
    W21 = _dot(Wp2_ref[...], Ww1_ref[...])
    b21 = _dot(bp2_ref[...], Ww1_ref[...])
    pebW = _dot(ph, W21) + b21
    peb = _dot(ph, Wp2_ref[...]) + bp2_ref[...]
    kw = g[:, 0:8]
    qWb = jnp.broadcast_to(qW[:, None, :], (B, _K, _G)).reshape(BK, _G)
    h = jnp.maximum((kw + pebW - qWb) + bw1_ref[...], 0.0)
    w = _dot(h, Ww2_ref[...]) + bw2_ref[...]
    w3 = w.reshape(B, _K, _G)
    m = jnp.max(w3, axis=1, keepdims=True)
    e = jnp.exp(w3 - m)
    wn = e / jnp.sum(e, axis=1, keepdims=True)
    ri = lax.broadcasted_iota(jnp.int32, (_G, _C), 0)
    ci = lax.broadcasted_iota(jnp.int32, (_G, _C), 1)
    R = ((ci // (_C // _G)) == ri).astype(jnp.float32)
    w128 = _dot(wn.reshape(BK, _G), R)
    v = gval_ref[...] + peb
    pooled = jnp.sum((w128 * v).reshape(B, _K, _C), axis=1)
    out_ref[...] = jnp.maximum(_dot(pooled, Wo_ref[...]) + bo_ref[...], 0.0)


def _attention(qfeat, qt16, g16, gval, Wq, bq, Wp1e, bp1, Wp2, bp2, Ww1, bw1,
               Ww2, bw2, Wo, bo):
    full = lambda i: (0, 0)
    return pl.pallas_call(
        _att_body,
        grid=(_Q // _QBA,),
        in_specs=[
            pl.BlockSpec((_QBA, _C), lambda i: (i, 0)),
            pl.BlockSpec((_QBA, 16), lambda i: (i, 0)),
            pl.BlockSpec((_QBA * _K, 16), lambda i: (i, 0)),
            pl.BlockSpec((_QBA * _K, _C), lambda i: (i, 0)),
            pl.BlockSpec((_C, _C), full),
            pl.BlockSpec((1, _C), full),
            pl.BlockSpec((16, _C), full),
            pl.BlockSpec((1, _C), full),
            pl.BlockSpec((_C, _C), full),
            pl.BlockSpec((1, _C), full),
            pl.BlockSpec((_C, _G), full),
            pl.BlockSpec((1, _G), full),
            pl.BlockSpec((_G, _G), full),
            pl.BlockSpec((1, _G), full),
            pl.BlockSpec((_C, _C), full),
            pl.BlockSpec((1, _C), full),
        ],
        out_specs=pl.BlockSpec((_QBA, _C), lambda i: (i, 0)),
        out_shape=jax.ShapeDtypeStruct((_Q, _C), jnp.float32),
    )(qfeat, qt16, g16, gval, Wq, bq, Wp1e, bp1, Wp2, bp2, Ww1, bw1, Ww2,
      bw2, Wo, bo)



def kernel(feat, coord, query_idx, Wq, bq, Wk, bk, Wv, bv, Wp1, bp1, Wp2,
           bp2, Ww1, bw1, Ww2, bw2, Wo, bo):
    t16, val = _precompute(feat, coord, Wk, bk, Wv, bv, Ww1)
    padrow = jnp.where(jnp.arange(16)[None, :] == 11, _BIG, 0.0)
    pad = jnp.broadcast_to(padrow, (_NP - _N, 16)).astype(jnp.float32)
    t16p = jnp.concatenate([t16, pad], axis=0)
    ct = t16p.T

    qidx = query_idx.astype(jnp.int32)
    qt16, qfeat = _sc_gather_pair(t16p, feat, qidx, chunk=256)

    dmat, jsel = _knn_groups(qt16, ct)
    offs = jnp.arange(_S, dtype=jnp.int32) * _J
    candp = (jsel[:, None, :] + offs[None, :, None]).reshape(_Q, _S * 16)
    qrow = jnp.arange(_Q, dtype=jnp.int32)[:, None, None] * _J
    soff = (jnp.arange(_S, dtype=jnp.int32) * (_Q * _J))[None, :, None]
    candflat = (jsel[:, None, :] + qrow + soff).reshape(_Q, _S * 16)
    nc = _S * 16
    cdv = _sc_gather_1d(dmat.reshape(-1), candflat.reshape(-1),
                        chunk=4096).reshape(_Q, nc)
    idx = _final_topk(cdv, candp)

    idxf = idx.reshape(-1)
    g16, gval = _sc_gather_pair(t16p, val, idxf, chunk=512)

    Wp1e = jnp.concatenate(
        [jnp.zeros((8, _C), jnp.float32), Wp1,
         jnp.zeros((5, _C), jnp.float32)], axis=0)
    return _attention(
        qfeat, qt16, g16, gval, Wq, bq.reshape(1, -1), Wp1e,
        bp1.reshape(1, -1), Wp2, bp2.reshape(1, -1), Ww1,
        bw1.reshape(1, -1), Ww2, bw2.reshape(1, -1), Wo, bo.reshape(1, -1))

# --- scband reference (transcript-rebuilt; emitter-appended) ---
"""Pipeline reference for scband-knn-attention-pool-35347580846877 (READ-ONLY COPY).

The authoritative reference and input builder live on the scoring server;
editing this copy changes nothing except your own understanding.
"""

import jax, jax.numpy as jnp
import numpy as np

N = 50000
C = 128
Q = 8192
K = 16
G = 8
CHUNK = 1024


def setup_inputs(seed: int = 0) -> dict:
    key = jax.random.key(seed)
    ks = jax.random.split(key, 16)
    s = 1.0 / np.sqrt(C)
    inp = {}
    inp["feat"] = jax.random.normal(ks[0], (N, C), dtype=jnp.float32)
    inp["coord"] = jax.random.uniform(ks[1], (N, 3), dtype=jnp.float32)
    inp["query_idx"] = jax.random.randint(ks[2], (Q,), 0, N)
    inp["Wq"] = jax.random.normal(ks[3], (C, C), dtype=jnp.float32) * s
    inp["bq"] = jnp.zeros((C,), jnp.float32)
    inp["Wk"] = jax.random.normal(ks[4], (C, C), dtype=jnp.float32) * s
    inp["bk"] = jnp.zeros((C,), jnp.float32)
    inp["Wv"] = jax.random.normal(ks[5], (C, C), dtype=jnp.float32) * s
    inp["bv"] = jnp.zeros((C,), jnp.float32)
    inp["Wp1"] = jax.random.normal(ks[6], (3, C), dtype=jnp.float32) * 0.5
    inp["bp1"] = jnp.zeros((C,), jnp.float32)
    inp["Wp2"] = jax.random.normal(ks[7], (C, C), dtype=jnp.float32) * s
    inp["bp2"] = jnp.zeros((C,), jnp.float32)
    inp["Ww1"] = jax.random.normal(ks[8], (C, G), dtype=jnp.float32) * s
    inp["bw1"] = jnp.zeros((G,), jnp.float32)
    inp["Ww2"] = jax.random.normal(ks[9], (G, G), dtype=jnp.float32) * (1.0 / np.sqrt(G))
    inp["bw2"] = jnp.zeros((G,), jnp.float32)
    inp["Wo"] = jax.random.normal(ks[10], (C, C), dtype=jnp.float32) * s
    inp["bo"] = jnp.zeros((C,), jnp.float32)
    return inp


def knn_indices(q_coord, base_coord, k):
    # brute-force knn, chunked over queries to bound memory
    b2 = jnp.sum(base_coord * base_coord, axis=1)
    idx_chunks = []
    nq = q_coord.shape[0]
    for i in range(0, nq, CHUNK):
        qc = q_coord[i:i + CHUNK]
        d2 = jnp.sum(qc * qc, axis=1)[:, None] + b2[None, :] - 2.0 * (qc @ base_coord.T)
        _, idx = jax.lax.top_k(-d2, k)
        idx_chunks.append(idx)
    return jnp.concatenate(idx_chunks, axis=0)


def reference(feat, coord, query_idx, Wq, bq, Wk, bk, Wv, bv, Wp1, bp1, Wp2, bp2, Ww1, bw1, Ww2, bw2, Wo, bo):
    q_coord = jnp.take(coord, query_idx, axis=0)
    q_feat = jnp.take(feat, query_idx, axis=0)
    idx = knn_indices(q_coord, coord, K)  # (Q, K) int
    # grouped vector attention (PTv2 style): q/k with BN(identity at init)+ReLU, v linear
    query = jax.nn.relu(q_feat @ Wq + bq)
    key_all = jax.nn.relu(feat @ Wk + bk)
    val_all = feat @ Wv + bv
    k_g = jnp.take(key_all, idx, axis=0)  # (Q, K, C) gather
    v_g = jnp.take(val_all, idx, axis=0)
    pos = jnp.take(coord, idx, axis=0) - q_coord[:, None, :]  # (Q, K, 3)
    peb = jax.nn.relu(pos @ Wp1 + bp1) @ Wp2 + bp2  # pe_bias branch
    k_g = k_g + peb
    v_g = v_g + peb
    relation = k_g - query[:, None, :]
    w = jax.nn.relu(relation @ Ww1 + bw1) @ Ww2 + bw2  # (Q, K, G)
    w = jax.nn.softmax(w, axis=1)
    v_g = v_g.reshape(Q, K, G, C // G)
    pooled = jnp.einsum('nsg,nsgi->ngi', w, v_g).reshape(Q, C)
    out = jax.nn.relu(pooled @ Wo + bo)
    return out

if __name__ == "__main__":
    import jax
    _d = setup_inputs()
    print(jax.jit(kernel)(*tuple(_d.values())))

</pallas_src>

<mosaic_0001>
#map = affine_map<(d0, d1) -> (0, 0)>
#map1 = affine_map<(d0, d1) -> (0)>
module attributes {stable_mosaic.version = 14 : i64} {
  func.func @gk(%arg0: i32, %arg1: i32, %arg2: memref<51200x16xf32, #tpu.memory_space<hbm>>, %arg3: memref<50000x128xf32, #tpu.memory_space<hbm>>, %arg4: memref<131072xi32, #tpu.memory_space<hbm>>, %arg5: memref<131072x16xf32, #tpu.memory_space<hbm>>, %arg6: memref<131072x128xf32, #tpu.memory_space<hbm>>, %arg7: memref<512xi32, #tpu.memory_space<vmem>>, %arg8: memref<512x16xf32, #tpu.memory_space<vmem>>, %arg9: memref<512x128xf32, #tpu.memory_space<vmem>>, %arg10: memref<!tpu.dma_semaphore, #tpu.memory_space<semaphore_mem>>, %arg11: memref<!tpu.dma_semaphore, #tpu.memory_space<semaphore_mem>>) attributes {dimension_semantics = [#tpu.dimension_semantics<core_parallel>, #tpu.dimension_semantics<subcore_parallel>], iteration_bounds = array<i64: 2, 16>, scalar_prefetch = 0 : i64, scratch_operands = 5 : i64, tpu.core_type = #tpu.core_type<sc_vector_subcore>, window_params = [{transform_indices = #map}, {transform_indices = #map}, {transform_indices = #map1}, {transform_indices = #map}, {transform_indices = #map}]} {
    %mul3A = arith.constant 2 : i32
    %mul3A_0 = arith.muli %arg1, %mul3A : i32
    %add3A = arith.addi %mul3A_0, %arg0 : i32
    %mul3A_1 = arith.constant 4096 : i32
    %mul3A_2 = arith.muli %add3A, %mul3A_1 : i32
    %scan3A = arith.constant 0 : i32
    %scan3A_3 = arith.constant 0 : i32
    %scan3A_4 = arith.constant 8 : i32
    %scan3A_5 = arith.addi %scan3A_3, %scan3A_4 : i32
    %scan3A_6 = arith.constant 1 : i32
    scf.for %scan3A_8 = %scan3A_3 to %scan3A_5 step %scan3A_6  : i32 {
      %mul3A_9 = arith.constant 512 : i32
      %mul3A_10 = arith.muli %scan3A_8, %mul3A_9 : i32
      %add3A_11 = arith.addi %mul3A_2, %mul3A_10 : i32
      "tpu.region"() ({
        %run_scoped3A = tpu.sem_alloc : memref<!tpu.dma_semaphore, #tpu.memory_space<semaphore_mem>>
        %dma_start3A_22 = tpu.memref_slice %arg4[%add3A_11] : memref<131072xi32, #tpu.memory_space<hbm>> -> memref<512xi32, #tpu.memory_space<hbm>>
        %dma_start3A_23 = tpu.memref_slice %arg4[%add3A_11] : memref<131072xi32, #tpu.memory_space<hbm>> -> memref<512xi32, #tpu.memory_space<hbm>>
        tpu.enqueue_dma source(%dma_start3A_23 : memref<512xi32, #tpu.memory_space<hbm>>) target(%arg7 : memref<512xi32, #tpu.memory_space<vmem>>) target_semaphore(%run_scoped3A : memref<!tpu.dma_semaphore, #tpu.memory_space<semaphore_mem>>)
        %dma_wait3A_24 = tpu.memref_slice %arg4[%add3A_11] : memref<131072xi32, #tpu.memory_space<hbm>> -> memref<512xi32, #tpu.memory_space<hbm>>
        %dma_wait3A_25 = tpu.memref_slice %arg4[%add3A_11] : memref<131072xi32, #tpu.memory_space<hbm>> -> memref<512xi32, #tpu.memory_space<hbm>>
        tpu.wait_dma2 semaphore(%run_scoped3A : memref<!tpu.dma_semaphore, #tpu.memory_space<semaphore_mem>>) src(%dma_wait3A_25 : memref<512xi32, #tpu.memory_space<hbm>>) dst(%arg7 : memref<512xi32, #tpu.memory_space<vmem>>)
        tpu.yield
      }) : () -> ()
      %dma_start3A = arith.constant 0 : i32
      %dma_start3A_12 = arith.constant 0 : i32
      %dma_start3A_13 = tpu.memref_slice %arg2[%dma_start3A, %dma_start3A_12] : memref<51200x16xf32, #tpu.memory_space<hbm>> -> memref<51200x16xf32, #tpu.memory_space<hbm>>
      tpu.enqueue_indirect_dma source(%dma_start3A_13 : memref<51200x16xf32, #tpu.memory_space<hbm>>) target(%arg8 : memref<512x16xf32, #tpu.memory_space<vmem>>) offsets(%arg7 : memref<512xi32, #tpu.memory_space<vmem>>) semaphore(%arg10 : memref<!tpu.dma_semaphore, #tpu.memory_space<semaphore_mem>>)
      %dma_start3A_14 = arith.constant 0 : i32
      %dma_start3A_15 = arith.constant 0 : i32
      %dma_start3A_16 = tpu.memref_slice %arg3[%dma_start3A_14, %dma_start3A_15] : memref<50000x128xf32, #tpu.memory_space<hbm>> -> memref<50000x128xf32, #tpu.memory_space<hbm>>
      tpu.enqueue_indirect_dma source(%dma_start3A_16 : memref<50000x128xf32, #tpu.memory_space<hbm>>) target(%arg9 : memref<512x128xf32, #tpu.memory_space<vmem>>) offsets(%arg7 : memref<512xi32, #tpu.memory_space<vmem>>) semaphore(%arg11 : memref<!tpu.dma_semaphore, #tpu.memory_space<semaphore_mem>>)
      %dma_wait3A = arith.constant 0 : i32
      %dma_wait3A_17 = arith.constant 0 : i32
      %dma_wait3A_18 = tpu.memref_slice %arg2[%dma_wait3A, %dma_wait3A_17] : memref<51200x16xf32, #tpu.memory_space<hbm>> -> memref<51200x16xf32, #tpu.memory_space<hbm>>
      tpu.wait_indirect_dma semaphore(%arg10 : memref<!tpu.dma_semaphore, #tpu.memory_space<semaphore_mem>>) src(%dma_wait3A_18 : memref<51200x16xf32, #tpu.memory_space<hbm>>) dst(%arg8 : memref<512x16xf32, #tpu.memory_space<vmem>>)
      "tpu.region"() ({
        %run_scoped3A = tpu.sem_alloc : memref<!tpu.dma_semaphore, #tpu.memory_space<semaphore_mem>>
        %dma_start3A_22 = arith.constant 0 : i32
        %dma_start3A_23 = tpu.memref_slice %arg5[%add3A_11, %dma_start3A_22] : memref<131072x16xf32, #tpu.memory_space<hbm>> -> memref<512x16xf32, #tpu.memory_space<hbm>>
        %dma_start3A_24 = arith.constant 0 : i32
        %dma_start3A_25 = tpu.memref_slice %arg5[%add3A_11, %dma_start3A_24] : memref<131072x16xf32, #tpu.memory_space<hbm>> -> memref<512x16xf32, #tpu.memory_space<hbm>>
        tpu.enqueue_dma source(%arg8 : memref<512x16xf32, #tpu.memory_space<vmem>>) target(%dma_start3A_25 : memref<512x16xf32, #tpu.memory_space<hbm>>) target_semaphore(%run_scoped3A : memref<!tpu.dma_semaphore, #tpu.memory_space<semaphore_mem>>)
        %dma_wait3A_26 = arith.constant 0 : i32
        %dma_wait3A_27 = tpu.memref_slice %arg5[%add3A_11, %dma_wait3A_26] : memref<131072x16xf32, #tpu.memory_space<hbm>> -> memref<512x16xf32, #tpu.memory_space<hbm>>
        %dma_wait3A_28 = arith.constant 0 : i32
        %dma_wait3A_29 = tpu.memref_slice %arg5[%add3A_11, %dma_wait3A_28] : memref<131072x16xf32, #tpu.memory_space<hbm>> -> memref<512x16xf32, #tpu.memory_space<hbm>>
        tpu.wait_dma2 semaphore(%run_scoped3A : memref<!tpu.dma_semaphore, #tpu.memory_space<semaphore_mem>>) src(%arg8 : memref<512x16xf32, #tpu.memory_space<vmem>>) dst(%dma_wait3A_29 : memref<512x16xf32, #tpu.memory_space<hbm>>)
        tpu.yield
      }) : () -> ()
      %dma_wait3A_19 = arith.constant 0 : i32
      %dma_wait3A_20 = arith.constant 0 : i32
      %dma_wait3A_21 = tpu.memref_slice %arg3[%dma_wait3A_19, %dma_wait3A_20] : memref<50000x128xf32, #tpu.memory_space<hbm>> -> memref<50000x128xf32, #tpu.memory_space<hbm>>
      tpu.wait_indirect_dma semaphore(%arg11 : memref<!tpu.dma_semaphore, #tpu.memory_space<semaphore_mem>>) src(%dma_wait3A_21 : memref<50000x128xf32, #tpu.memory_space<hbm>>) dst(%arg9 : memref<512x128xf32, #tpu.memory_space<vmem>>)
      "tpu.region"() ({
        %run_scoped3A = tpu.sem_alloc : memref<!tpu.dma_semaphore, #tpu.memory_space<semaphore_mem>>
        %dma_start3A_22 = arith.constant 0 : i32
        %dma_start3A_23 = tpu.memref_slice %arg6[%add3A_11, %dma_start3A_22] : memref<131072x128xf32, #tpu.memory_space<hbm>> -> memref<512x128xf32, #tpu.memory_space<hbm>>
        %dma_start3A_24 = arith.constant 0 : i32
        %dma_start3A_25 = tpu.memref_slice %arg6[%add3A_11, %dma_start3A_24] : memref<131072x128xf32, #tpu.memory_space<hbm>> -> memref<512x128xf32, #tpu.memory_space<hbm>>
        tpu.enqueue_dma source(%arg9 : memref<512x128xf32, #tpu.memory_space<vmem>>) target(%dma_start3A_25 : memref<512x128xf32, #tpu.memory_space<hbm>>) target_semaphore(%run_scoped3A : memref<!tpu.dma_semaphore, #tpu.memory_space<semaphore_mem>>)
        %dma_wait3A_26 = arith.constant 0 : i32
        %dma_wait3A_27 = tpu.memref_slice %arg6[%add3A_11, %dma_wait3A_26] : memref<131072x128xf32, #tpu.memory_space<hbm>> -> memref<512x128xf32, #tpu.memory_space<hbm>>
        %dma_wait3A_28 = arith.constant 0 : i32
        %dma_wait3A_29 = tpu.memref_slice %arg6[%add3A_11, %dma_wait3A_28] : memref<131072x128xf32, #tpu.memory_space<hbm>> -> memref<512x128xf32, #tpu.memory_space<hbm>>
        tpu.wait_dma2 semaphore(%run_scoped3A : memref<!tpu.dma_semaphore, #tpu.memory_space<semaphore_mem>>) src(%arg9 : memref<512x128xf32, #tpu.memory_space<vmem>>) dst(%dma_wait3A_29 : memref<512x128xf32, #tpu.memory_space<hbm>>)
        tpu.yield
      }) : () -> ()
    }
    %scan3A_7 = arith.constant 8 : i32
    return
  }
}

#map = affine_map<(d0, d1) -> (0)>
module attributes {stable_mosaic.version = 14 : i64} {
  func.func @gk(%arg0: i32, %arg1: i32, %arg2: memref<419430400xf32, #tpu.memory_space<hbm>>, %arg3: memref<2097152xi32, #tpu.memory_space<hbm>>, %arg4: memref<2097152xf32, #tpu.memory_space<hbm>>, %arg5: memref<4096xi32, #tpu.memory_space<vmem>>, %arg6: memref<4096xf32, #tpu.memory_space<vmem>>, %arg7: memref<!tpu.dma_semaphore, #tpu.memory_space<semaphore_mem>>) attributes {dimension_semantics = [#tpu.dimension_semantics<core_parallel>, #tpu.dimension_semantics<subcore_parallel>], iteration_bounds = array<i64: 2, 16>, scalar_prefetch = 0 : i64, scratch_operands = 3 : i64, tpu.core_type = #tpu.core_type<sc_vector_subcore>, window_params = [{transform_indices = #map}, {transform_indices = #map}, {transform_indices = #map}]} {
    %mul3A = arith.constant 2 : i32
    %mul3A_0 = arith.muli %arg1, %mul3A : i32
    %add3A = arith.addi %mul3A_0, %arg0 : i32
    %mul3A_1 = arith.constant 65536 : i32
    %mul3A_2 = arith.muli %add3A, %mul3A_1 : i32
    %scan3A = arith.constant 0 : i32
    %scan3A_3 = arith.constant 0 : i32
    %scan3A_4 = arith.constant 16 : i32
    %scan3A_5 = arith.addi %scan3A_3, %scan3A_4 : i32
    %scan3A_6 = arith.constant 1 : i32
    scf.for %scan3A_8 = %scan3A_3 to %scan3A_5 step %scan3A_6  : i32 {
      %mul3A_9 = arith.constant 4096 : i32
      %mul3A_10 = arith.muli %scan3A_8, %mul3A_9 : i32
      %add3A_11 = arith.addi %mul3A_2, %mul3A_10 : i32
      "tpu.region"() ({
        %run_scoped3A = tpu.sem_alloc : memref<!tpu.dma_semaphore, #tpu.memory_space<semaphore_mem>>
        %dma_start3A_14 = tpu.memref_slice %arg3[%add3A_11] : memref<2097152xi32, #tpu.memory_space<hbm>> -> memref<4096xi32, #tpu.memory_space<hbm>>
        %dma_start3A_15 = tpu.memref_slice %arg3[%add3A_11] : memref<2097152xi32, #tpu.memory_space<hbm>> -> memref<4096xi32, #tpu.memory_space<hbm>>
        tpu.enqueue_dma source(%dma_start3A_15 : memref<4096xi32, #tpu.memory_space<hbm>>) target(%arg5 : memref<4096xi32, #tpu.memory_space<vmem>>) target_semaphore(%run_scoped3A : memref<!tpu.dma_semaphore, #tpu.memory_space<semaphore_mem>>)
        %dma_wait3A_16 = tpu.memref_slice %arg3[%add3A_11] : memref<2097152xi32, #tpu.memory_space<hbm>> -> memref<4096xi32, #tpu.memory_space<hbm>>
        %dma_wait3A_17 = tpu.memref_slice %arg3[%add3A_11] : memref<2097152xi32, #tpu.memory_space<hbm>> -> memref<4096xi32, #tpu.memory_space<hbm>>
        tpu.wait_dma2 semaphore(%run_scoped3A : memref<!tpu.dma_semaphore, #tpu.memory_space<semaphore_mem>>) src(%dma_wait3A_17 : memref<4096xi32, #tpu.memory_space<hbm>>) dst(%arg5 : memref<4096xi32, #tpu.memory_space<vmem>>)
        tpu.yield
      }) : () -> ()
      %dma_start3A = arith.constant 0 : i32
      %dma_start3A_12 = tpu.memref_slice %arg2[%dma_start3A] : memref<419430400xf32, #tpu.memory_space<hbm>> -> memref<419430400xf32, #tpu.memory_space<hbm>>
      tpu.enqueue_indirect_dma source(%dma_start3A_12 : memref<419430400xf32, #tpu.memory_space<hbm>>) target(%arg6 : memref<4096xf32, #tpu.memory_space<vmem>>) offsets(%arg5 : memref<4096xi32, #tpu.memory_space<vmem>>) semaphore(%arg7 : memref<!tpu.dma_semaphore, #tpu.memory_space<semaphore_mem>>)
      %dma_wait3A = arith.constant 0 : i32
      %dma_wait3A_13 = tpu.memref_slice %arg2[%dma_wait3A] : memref<419430400xf32, #tpu.memory_space<hbm>> -> memref<419430400xf32, #tpu.memory_space<hbm>>
      tpu.wait_indirect_dma semaphore(%arg7 : memref<!tpu.dma_semaphore, #tpu.memory_space<semaphore_mem>>) src(%dma_wait3A_13 : memref<419430400xf32, #tpu.memory_space<hbm>>) dst(%arg6 : memref<4096xf32, #tpu.memory_space<vmem>>)
      "tpu.region"() ({
        %run_scoped3A = tpu.sem_alloc : memref<!tpu.dma_semaphore, #tpu.memory_space<semaphore_mem>>
        %dma_start3A_14 = tpu.memref_slice %arg4[%add3A_11] : memref<2097152xf32, #tpu.memory_space<hbm>> -> memref<4096xf32, #tpu.memory_space<hbm>>
        %dma_start3A_15 = tpu.memref_slice %arg4[%add3A_11] : memref<2097152xf32, #tpu.memory_space<hbm>> -> memref<4096xf32, #tpu.memory_space<hbm>>
        tpu.enqueue_dma source(%arg6 : memref<4096xf32, #tpu.memory_space<vmem>>) target(%dma_start3A_15 : memref<4096xf32, #tpu.memory_space<hbm>>) target_semaphore(%run_scoped3A : memref<!tpu.dma_semaphore, #tpu.memory_space<semaphore_mem>>)
        %dma_wait3A_16 = tpu.memref_slice %arg4[%add3A_11] : memref<2097152xf32, #tpu.memory_space<hbm>> -> memref<4096xf32, #tpu.memory_space<hbm>>
        %dma_wait3A_17 = tpu.memref_slice %arg4[%add3A_11] : memref<2097152xf32, #tpu.memory_space<hbm>> -> memref<4096xf32, #tpu.memory_space<hbm>>
        tpu.wait_dma2 semaphore(%run_scoped3A : memref<!tpu.dma_semaphore, #tpu.memory_space<semaphore_mem>>) src(%arg6 : memref<4096xf32, #tpu.memory_space<vmem>>) dst(%dma_wait3A_17 : memref<4096xf32, #tpu.memory_space<hbm>>)
        tpu.yield
      }) : () -> ()
    }
    %scan3A_7 = arith.constant 16 : i32
    return
  }
}

#map = affine_map<(d0, d1) -> (0, 0)>
#map1 = affine_map<(d0, d1) -> (0)>
module attributes {stable_mosaic.version = 14 : i64} {
  func.func @gk(%arg0: i32, %arg1: i32, %arg2: memref<51200x16xf32, #tpu.memory_space<hbm>>, %arg3: memref<50000x128xf32, #tpu.memory_space<hbm>>, %arg4: memref<8192xi32, #tpu.memory_space<hbm>>, %arg5: memref<8192x16xf32, #tpu.memory_space<hbm>>, %arg6: memref<8192x128xf32, #tpu.memory_space<hbm>>, %arg7: memref<256xi32, #tpu.memory_space<vmem>>, %arg8: memref<256x16xf32, #tpu.memory_space<vmem>>, %arg9: memref<256x128xf32, #tpu.memory_space<vmem>>, %arg10: memref<!tpu.dma_semaphore, #tpu.memory_space<semaphore_mem>>, %arg11: memref<!tpu.dma_semaphore, #tpu.memory_space<semaphore_mem>>) attributes {dimension_semantics = [#tpu.dimension_semantics<core_parallel>, #tpu.dimension_semantics<subcore_parallel>], iteration_bounds = array<i64: 2, 16>, scalar_prefetch = 0 : i64, scratch_operands = 5 : i64, tpu.core_type = #tpu.core_type<sc_vector_subcore>, window_params = [{transform_indices = #map}, {transform_indices = #map}, {transform_indices = #map1}, {transform_indices = #map}, {transform_indices = #map}]} {
    %mul3A = arith.constant 2 : i32
    %mul3A_0 = arith.muli %arg1, %mul3A : i32
    %add3A = arith.addi %mul3A_0, %arg0 : i32
    %mul3A_1 = arith.constant 256 : i32
    %mul3A_2 = arith.muli %add3A, %mul3A_1 : i32
    %scan3A = arith.constant 0 : i32
    %scan3A_3 = arith.constant 0 : i32
    %mul3A_4 = arith.constant 256 : i32
    %mul3A_5 = arith.muli %scan3A_3, %mul3A_4 : i32
    %add3A_6 = arith.addi %mul3A_2, %mul3A_5 : i32
    "tpu.region"() ({
      %run_scoped3A = tpu.sem_alloc : memref<!tpu.dma_semaphore, #tpu.memory_space<semaphore_mem>>
      %dma_start3A_18 = tpu.memref_slice %arg4[%add3A_6] : memref<8192xi32, #tpu.memory_space<hbm>> -> memref<256xi32, #tpu.memory_space<hbm>>
      %dma_start3A_19 = tpu.memref_slice %arg4[%add3A_6] : memref<8192xi32, #tpu.memory_space<hbm>> -> memref<256xi32, #tpu.memory_space<hbm>>
      tpu.enqueue_dma source(%dma_start3A_19 : memref<256xi32, #tpu.memory_space<hbm>>) target(%arg7 : memref<256xi32, #tpu.memory_space<vmem>>) target_semaphore(%run_scoped3A : memref<!tpu.dma_semaphore, #tpu.memory_space<semaphore_mem>>)
      %dma_wait3A_20 = tpu.memref_slice %arg4[%add3A_6] : memref<8192xi32, #tpu.memory_space<hbm>> -> memref<256xi32, #tpu.memory_space<hbm>>
      %dma_wait3A_21 = tpu.memref_slice %arg4[%add3A_6] : memref<8192xi32, #tpu.memory_space<hbm>> -> memref<256xi32, #tpu.memory_space<hbm>>
      tpu.wait_dma2 semaphore(%run_scoped3A : memref<!tpu.dma_semaphore, #tpu.memory_space<semaphore_mem>>) src(%dma_wait3A_21 : memref<256xi32, #tpu.memory_space<hbm>>) dst(%arg7 : memref<256xi32, #tpu.memory_space<vmem>>)
      tpu.yield
    }) : () -> ()
    %dma_start3A = arith.constant 0 : i32
    %dma_start3A_7 = arith.constant 0 : i32
    %dma_start3A_8 = tpu.memref_slice %arg2[%dma_start3A, %dma_start3A_7] : memref<51200x16xf32, #tpu.memory_space<hbm>> -> memref<51200x16xf32, #tpu.memory_space<hbm>>
    tpu.enqueue_indirect_dma source(%dma_start3A_8 : memref<51200x16xf32, #tpu.memory_space<hbm>>) target(%arg8 : memref<256x16xf32, #tpu.memory_space<vmem>>) offsets(%arg7 : memref<256xi32, #tpu.memory_space<vmem>>) semaphore(%arg10 : memref<!tpu.dma_semaphore, #tpu.memory_space<semaphore_mem>>)
    %dma_start3A_9 = arith.constant 0 : i32
    %dma_start3A_10 = arith.constant 0 : i32
    %dma_start3A_11 = tpu.memref_slice %arg3[%dma_start3A_9, %dma_start3A_10] : memref<50000x128xf32, #tpu.memory_space<hbm>> -> memref<50000x128xf32, #tpu.memory_space<hbm>>
    tpu.enqueue_indirect_dma source(%dma_start3A_11 : memref<50000x128xf32, #tpu.memory_space<hbm>>) target(%arg9 : memref<256x128xf32, #tpu.memory_space<vmem>>) offsets(%arg7 : memref<256xi32, #tpu.memory_space<vmem>>) semaphore(%arg11 : memref<!tpu.dma_semaphore, #tpu.memory_space<semaphore_mem>>)
    %dma_wait3A = arith.constant 0 : i32
    %dma_wait3A_12 = arith.constant 0 : i32
    %dma_wait3A_13 = tpu.memref_slice %arg2[%dma_wait3A, %dma_wait3A_12] : memref<51200x16xf32, #tpu.memory_space<hbm>> -> memref<51200x16xf32, #tpu.memory_space<hbm>>
    tpu.wait_indirect_dma semaphore(%arg10 : memref<!tpu.dma_semaphore, #tpu.memory_space<semaphore_mem>>) src(%dma_wait3A_13 : memref<51200x16xf32, #tpu.memory_space<hbm>>) dst(%arg8 : memref<256x16xf32, #tpu.memory_space<vmem>>)
    "tpu.region"() ({
      %run_scoped3A = tpu.sem_alloc : memref<!tpu.dma_semaphore, #tpu.memory_space<semaphore_mem>>
      %dma_start3A_18 = arith.constant 0 : i32
      %dma_start3A_19 = tpu.memref_slice %arg5[%add3A_6, %dma_start3A_18] : memref<8192x16xf32, #tpu.memory_space<hbm>> -> memref<256x16xf32, #tpu.memory_space<hbm>>
      %dma_start3A_20 = arith.constant 0 : i32
      %dma_start3A_21 = tpu.memref_slice %arg5[%add3A_6, %dma_start3A_20] : memref<8192x16xf32, #tpu.memory_space<hbm>> -> memref<256x16xf32, #tpu.memory_space<hbm>>
      tpu.enqueue_dma source(%arg8 : memref<256x16xf32, #tpu.memory_space<vmem>>) target(%dma_start3A_21 : memref<256x16xf32, #tpu.memory_space<hbm>>) target_semaphore(%run_scoped3A : memref<!tpu.dma_semaphore, #tpu.memory_space<semaphore_mem>>)
      %dma_wait3A_22 = arith.constant 0 : i32
      %dma_wait3A_23 = tpu.memref_slice %arg5[%add3A_6, %dma_wait3A_22] : memref<8192x16xf32, #tpu.memory_space<hbm>> -> memref<256x16xf32, #tpu.memory_space<hbm>>
      %dma_wait3A_24 = arith.constant 0 : i32
      %dma_wait3A_25 = tpu.memref_slice %arg5[%add3A_6, %dma_wait3A_24] : memref<8192x16xf32, #tpu.memory_space<hbm>> -> memref<256x16xf32, #tpu.memory_space<hbm>>
      tpu.wait_dma2 semaphore(%run_scoped3A : memref<!tpu.dma_semaphore, #tpu.memory_space<semaphore_mem>>) src(%arg8 : memref<256x16xf32, #tpu.memory_space<vmem>>) dst(%dma_wait3A_25 : memref<256x16xf32, #tpu.memory_space<hbm>>)
      tpu.yield
    }) : () -> ()
    %dma_wait3A_14 = arith.constant 0 : i32
    %dma_wait3A_15 = arith.constant 0 : i32
    %dma_wait3A_16 = tpu.memref_slice %arg3[%dma_wait3A_14, %dma_wait3A_15] : memref<50000x128xf32, #tpu.memory_space<hbm>> -> memref<50000x128xf32, #tpu.memory_space<hbm>>
    tpu.wait_indirect_dma semaphore(%arg11 : memref<!tpu.dma_semaphore, #tpu.memory_space<semaphore_mem>>) src(%dma_wait3A_16 : memref<50000x128xf32, #tpu.memory_space<hbm>>) dst(%arg9 : memref<256x128xf32, #tpu.memory_space<vmem>>)
    "tpu.region"() ({
      %run_scoped3A = tpu.sem_alloc : memref<!tpu.dma_semaphore, #tpu.memory_space<semaphore_mem>>
      %dma_start3A_18 = arith.constant 0 : i32
      %dma_start3A_19 = tpu.memref_slice %arg6[%add3A_6, %dma_start3A_18] : memref<8192x128xf32, #tpu.memory_space<hbm>> -> memref<256x128xf32, #tpu.memory_space<hbm>>
      %dma_start3A_20 = arith.constant 0 : i32
      %dma_start3A_21 = tpu.memref_slice %arg6[%add3A_6, %dma_start3A_20] : memref<8192x128xf32, #tpu.memory_space<hbm>> -> memref<256x128xf32, #tpu.memory_space<hbm>>
      tpu.enqueue_dma source(%arg9 : memref<256x128xf32, #tpu.memory_space<vmem>>) target(%dma_start3A_21 : memref<256x128xf32, #tpu.memory_space<hbm>>) target_semaphore(%run_scoped3A : memref<!tpu.dma_semaphore, #tpu.memory_space<semaphore_mem>>)
      %dma_wait3A_22 = arith.constant 0 : i32
      %dma_wait3A_23 = tpu.memref_slice %arg6[%add3A_6, %dma_wait3A_22] : memref<8192x128xf32, #tpu.memory_space<hbm>> -> memref<256x128xf32, #tpu.memory_space<hbm>>
      %dma_wait3A_24 = arith.constant 0 : i32
      %dma_wait3A_25 = tpu.memref_slice %arg6[%add3A_6, %dma_wait3A_24] : memref<8192x128xf32, #tpu.memory_space<hbm>> -> memref<256x128xf32, #tpu.memory_space<hbm>>
      tpu.wait_dma2 semaphore(%run_scoped3A : memref<!tpu.dma_semaphore, #tpu.memory_space<semaphore_mem>>) src(%arg9 : memref<256x128xf32, #tpu.memory_space<vmem>>) dst(%dma_wait3A_25 : memref<256x128xf32, #tpu.memory_space<hbm>>)
      tpu.yield
    }) : () -> ()
    %scan3A_17 = arith.constant 1 : i32
    return
  }
}

module attributes {stable_mosaic.version = 14 : i64} {
  func.func @_pre_body(%arg0: i32, %arg1: memref<4096x128xf32, #tpu.memory_space<vmem>>, %arg2: memref<4096x3xf32, #tpu.memory_space<vmem>>, %arg3: memref<128x128xf32, #tpu.memory_space<vmem>>, %arg4: memref<1x128xf32, #tpu.memory_space<vmem>>, %arg5: memref<128x128xf32, #tpu.memory_space<vmem>>, %arg6: memref<1x128xf32, #tpu.memory_space<vmem>>, %arg7: memref<128x8xf32, #tpu.memory_space<vmem>>, %arg8: memref<4096x16xf32, #tpu.memory_space<vmem>>, %arg9: memref<4096x128xf32, #tpu.memory_space<vmem>>) attributes {dimension_semantics = [#tpu.dimension_semantics<arbitrary>], iteration_bounds = array<i64: 13>, scalar_prefetch = 0 : i64, scratch_operands = 0 : i64, tpu.core_type = #tpu.core_type<tc>, window_params = [{transform_indices = @transform_0, window_bounds = array<i64: 4096, 128>}, {transform_indices = @transform_1, window_bounds = array<i64: 4096, 3>}, {pipeline_mode = #tpu.pipeline_mode<synchronous>, transform_indices = @transform_2, window_bounds = array<i64: 128, 128>}, {pipeline_mode = #tpu.pipeline_mode<synchronous>, transform_indices = @transform_3, window_bounds = array<i64: 1, 128>}, {pipeline_mode = #tpu.pipeline_mode<synchronous>, transform_indices = @transform_4, window_bounds = array<i64: 128, 128>}, {pipeline_mode = #tpu.pipeline_mode<synchronous>, transform_indices = @transform_5, window_bounds = array<i64: 1, 128>}, {pipeline_mode = #tpu.pipeline_mode<synchronous>, transform_indices = @transform_6, window_bounds = array<i64: 128, 8>}, {transform_indices = @transform_7, window_bounds = array<i64: 4096, 16>}, {transform_indices = @transform_8, window_bounds = array<i64: 4096, 128>}]} {
    %get3A = arith.constant 0 : index
    %get3A_0 = arith.constant 0 : index
    %get3A_1 = vector.load %arg1[%get3A, %get3A_0] : memref<4096x128xf32, #tpu.memory_space<vmem>>, vector<4096x128xf32>
    %get3A_2 = arith.constant 0 : index
    %get3A_3 = arith.constant 0 : index
    %get3A_4 = vector.load %arg3[%get3A_2, %get3A_3] : memref<128x128xf32, #tpu.memory_space<vmem>>, vector<128x128xf32>
    %dot_general3A = arith.constant dense<0.000000e+00> : vector<4096x128xf32>
    %dot_general3A_5 = tpu.matmul %get3A_1, %get3A_4, %dot_general3A {dimension_numbers = #tpu.dot_dimension_numbers<[1], [0], [0], [1], [0, 0, 1, 1], [], []>, transpose_lhs_hint = false} : vector<4096x128xf32>, vector<128x128xf32>, vector<4096x128xf32> -> vector<4096x128xf32>
    %get3A_6 = arith.constant 0 : index
    %get3A_7 = arith.constant 0 : index
    %get3A_8 = vector.load %arg4[%get3A_6, %get3A_7] : memref<1x128xf32, #tpu.memory_space<vmem>>, vector<1x128xf32>
    %add3A = vector.broadcast %get3A_8 : vector<1x128xf32> to vector<4096x128xf32>
    %add3A_9 = arith.addf %dot_general3A_5, %add3A : vector<4096x128xf32>
    %max3A = arith.constant 0.000000e+00 : f32
    %max3A_10 = vector.broadcast %max3A : f32 to vector<4096x128xf32>
    %max3A_11 = arith.maximumf %add3A_9, %max3A_10 : vector<4096x128xf32>
    %get3A_12 = arith.constant 0 : index
    %get3A_13 = arith.constant 0 : index
    %get3A_14 = vector.load %arg7[%get3A_12, %get3A_13] : memref<128x8xf32, #tpu.memory_space<vmem>>, vector<128x8xf32>
    %dot_general3A_15 = arith.constant dense<0.000000e+00> : vector<4096x8xf32>
    %dot_general3A_16 = tpu.matmul %max3A_11, %get3A_14, %dot_general3A_15 {dimension_numbers = #tpu.dot_dimension_numbers<[1], [0], [0], [1], [0, 0, 1, 1], [], []>, transpose_lhs_hint = false} : vector<4096x128xf32>, vector<128x8xf32>, vector<4096x8xf32> -> vector<4096x8xf32>
    %get3A_17 = arith.constant 0 : index
    %get3A_18 = arith.constant 0 : index
    %get3A_19 = vector.load %arg2[%get3A_17, %get3A_18] : memref<4096x3xf32, #tpu.memory_space<vmem>>, vector<4096x3xf32>
    %mul3A = arith.mulf %get3A_19, %get3A_19 : vector<4096x3xf32>
    %reduce_sum3A = arith.constant dense<0.000000e+00> : vector<4096xf32>
    %reduce_sum3A_20 = vector.multi_reduction <add>, %mul3A, %reduce_sum3A [1] : vector<4096x3xf32> to vector<4096xf32>
    %broadcast_in_dim3A = vector.shape_cast %reduce_sum3A_20 : vector<4096xf32> to vector<4096x1xf32>
    %broadcast_in_dim3A_21 = arith.constant 0.000000e+00 : f32
    %broadcast_in_dim3A_22 = vector.broadcast %broadcast_in_dim3A_21 : f32 to vector<4096x4xf32>
    %concatenate3A = tpu.concatenate %dot_general3A_16, %get3A_19, %broadcast_in_dim3A, %broadcast_in_dim3A_22 in 1 : vector<4096x8xf32>, vector<4096x3xf32>, vector<4096x1xf32>, vector<4096x4xf32> -> vector<4096x16xf32>
    %swap3A = arith.constant 0 : index
    %swap3A_23 = arith.constant 0 : index
    %swap3A_24 = vector.load %arg8[%swap3A, %swap3A_23] : memref<4096x16xf32, #tpu.memory_space<vmem>>, vector<4096x16xf32>
    tpu.vector_store %arg8[%swap3A, %swap3A_23], %concatenate3A {strides = array<i32>} : memref<4096x16xf32, #tpu.memory_space<vmem>>, vector<4096x16xf32>,
    %get3A_25 = arith.constant 0 : index
    %get3A_26 = arith.constant 0 : index
    %get3A_27 = vector.load %arg5[%get3A_25, %get3A_26] : memref<128x128xf32, #tpu.memory_space<vmem>>, vector<128x128xf32>
    %dot_general3A_28 = arith.constant dense<0.000000e+00> : vector<4096x128xf32>
    %dot_general3A_29 = tpu.matmul %get3A_1, %get3A_27, %dot_general3A_28 {dimension_numbers = #tpu.dot_dimension_numbers<[1], [0], [0], [1], [0, 0, 1, 1], [], []>, transpose_lhs_hint = false} : vector<4096x128xf32>, vector<128x128xf32>, vector<4096x128xf32> -> vector<4096x128xf32>
    %get3A_30 = arith.constant 0 : index
    %get3A_31 = arith.constant 0 : index
    %get3A_32 = vector.load %arg6[%get3A_30, %get3A_31] : memref<1x128xf32, #tpu.memory_space<vmem>>, vector<1x128xf32>
    %add3A_33 = vector.broadcast %get3A_32 : vector<1x128xf32> to vector<4096x128xf32>
    %add3A_34 = arith.addf %dot_general3A_29, %add3A_33 : vector<4096x128xf32>
    %swap3A_35 = arith.constant 0 : index
    %swap3A_36 = arith.constant 0 : index
    %swap3A_37 = vector.load %arg9[%swap3A_35, %swap3A_36] : memref<4096x128xf32, #tpu.memory_space<vmem>>, vector<4096x128xf32>
    tpu.vector_store %arg9[%swap3A_35, %swap3A_36], %add3A_34 {strides = array<i32>} : memref<4096x128xf32, #tpu.memory_space<vmem>>, vector<4096x128xf32>,
    return
  }
  func.func @transform_0(%arg0: i32) -> (i32, i32) {
    %c0_i32 = arith.constant 0 : i32
    %c0_i32_0 = arith.constant 0 : i32
    return %arg0, %c0_i32 : i32, i32
  }
  func.func @transform_1(%arg0: i32) -> (i32, i32) {
    %c0_i32 = arith.constant 0 : i32
    %c0_i32_0 = arith.constant 0 : i32
    return %arg0, %c0_i32 : i32, i32
  }
  func.func @transform_2(%arg0: i32) -> (i32, i32) {
    %c0_i32 = arith.constant 0 : i32
    %c0_i32_0 = arith.constant 0 : i32
    %c0_i32_1 = arith.constant 0 : i32
    return %c0_i32, %c0_i32_0 : i32, i32
  }
  func.func @transform_3(%arg0: i32) -> (i32, i32) {
    %c0_i32 = arith.constant 0 : i32
    %c0_i32_0 = arith.constant 0 : i32
    %c0_i32_1 = arith.constant 0 : i32
    return %c0_i32, %c0_i32_0 : i32, i32
  }
  func.func @transform_4(%arg0: i32) -> (i32, i32) {
    %c0_i32 = arith.constant 0 : i32
    %c0_i32_0 = arith.constant 0 : i32
    %c0_i32_1 = arith.constant 0 : i32
    return %c0_i32, %c0_i32_0 : i32, i32
  }
  func.func @transform_5(%arg0: i32) -> (i32, i32) {
    %c0_i32 = arith.constant 0 : i32
    %c0_i32_0 = arith.constant 0 : i32
    %c0_i32_1 = arith.constant 0 : i32
    return %c0_i32, %c0_i32_0 : i32, i32
  }
  func.func @transform_6(%arg0: i32) -> (i32, i32) {
    %c0_i32 = arith.constant 0 : i32
    %c0_i32_0 = arith.constant 0 : i32
    %c0_i32_1 = arith.constant 0 : i32
    return %c0_i32, %c0_i32_0 : i32, i32
  }
  func.func @transform_7(%arg0: i32) -> (i32, i32) {
    %c0_i32 = arith.constant 0 : i32
    %c0_i32_0 = arith.constant 0 : i32
    return %arg0, %c0_i32 : i32, i32
  }
  func.func @transform_8(%arg0: i32) -> (i32, i32) {
    %c0_i32 = arith.constant 0 : i32
    %c0_i32_0 = arith.constant 0 : i32
    return %arg0, %c0_i32 : i32, i32
  }
}

module attributes {stable_mosaic.version = 14 : i64} {
  func.func @_knn_body(%arg0: i32, %arg1: i32, %arg2: memref<512x16xf32, #tpu.memory_space<vmem>>, %arg3: memref<16x3200xf32, #tpu.memory_space<vmem>>, %arg4: memref<12800x128xf32, #tpu.memory_space<vmem>>, %arg5: memref<512x16xi32, #tpu.memory_space<vmem>>, %arg6: memref<512x3200xf32, #tpu.memory_space<vmem>>) attributes {dimension_semantics = [#tpu.dimension_semantics<arbitrary>, #tpu.dimension_semantics<arbitrary>], iteration_bounds = array<i64: 16, 16>, scalar_prefetch = 0 : i64, scratch_operands = 1 : i64, tpu.core_type = #tpu.core_type<tc>, window_params = [{transform_indices = @transform_0, window_bounds = array<i64: 512, 16>}, {transform_indices = @transform_1, window_bounds = array<i64: 16, 3200>}, {transform_indices = @transform_2, window_bounds = array<i64: 12800, 128>}, {transform_indices = @transform_3, window_bounds = array<i64: 512, 16>}]} {
    %get3A = arith.constant 0 : index
    %get3A_0 = arith.constant 0 : index
    %get3A_1 = vector.load %arg2[%get3A, %get3A_0] : memref<512x16xf32, #tpu.memory_space<vmem>>, vector<512x16xf32>
    %iota3A = tpu.iota {dimensions = array<i32: 1>} : vector<1x16xi32>
    %ge3A = arith.constant 8 : i32
    %ge3A_2 = vector.broadcast %ge3A : i32 to vector<1x16xi32>
    %ge3A_3 = arith.cmpi sge, %iota3A, %ge3A_2 : vector<1x16xi32>
    %lt3A = arith.constant 11 : i32
    %lt3A_4 = vector.broadcast %lt3A : i32 to vector<1x16xi32>
    %lt3A_5 = arith.cmpi slt, %iota3A, %lt3A_4 : vector<1x16xi32>
    %and3A = arith.andi %ge3A_3, %lt3A_5 : vector<1x16xi1>
    %convert_element_type3A = arith.extui %and3A : vector<1x16xi1> to vector<1x16xi32>
    %convert_element_type3A_6 = arith.sitofp %convert_element_type3A : vector<1x16xi32> to vector<1x16xf32>
    %mul3A = vector.broadcast %convert_element_type3A_6 : vector<1x16xf32> to vector<512x16xf32>
    %mul3A_7 = arith.mulf %get3A_1, %mul3A : vector<512x16xf32>
    %mul3A_8 = arith.mulf %mul3A_7, %mul3A_7 : vector<512x16xf32>
    %reduce_sum3A = arith.constant dense<0.000000e+00> : vector<512xf32>
    %reduce_sum3A_9 = vector.multi_reduction <add>, %mul3A_8, %reduce_sum3A [1] : vector<512x16xf32> to vector<512xf32>
    %broadcast_in_dim3A = vector.shape_cast %reduce_sum3A_9 : vector<512xf32> to vector<512x1xf32>
    %get3A_10 = arith.constant 0 : index
    %get3A_11 = arith.constant 0 : index
    %get3A_12 = vector.load %arg3[%get3A_10, %get3A_11] : memref<16x3200xf32, #tpu.memory_space<vmem>>, vector<16x3200xf32>
    %dot_general3A = arith.constant dense<0.000000e+00> : vector<512x3200xf32>
    %dot_general3A_13 = tpu.matmul %mul3A_7, %get3A_12, %dot_general3A {dimension_numbers = #tpu.dot_dimension_numbers<[1], [0], [0], [1], [0, 0, 1, 1], [], []>, transpose_lhs_hint = false} : vector<512x16xf32>, vector<16x3200xf32>, vector<512x3200xf32> -> vector<512x3200xf32>
    %slice3A = vector.extract_strided_slice %get3A_12 {offsets = [11, 0], sizes = [1, 3200], strides = [1, 1]} : vector<16x3200xf32> to vector<1x3200xf32>
    %add3A = vector.broadcast %broadcast_in_dim3A : vector<512x1xf32> to vector<512x3200xf32>
    %add3A_14 = vector.broadcast %slice3A : vector<1x3200xf32> to vector<512x3200xf32>
    %add3A_15 = arith.addf %add3A, %add3A_14 : vector<512x3200xf32>
    %mul3A_16 = arith.constant 2.000000e+00 : f32
    %mul3A_17 = vector.broadcast %mul3A_16 : f32 to vector<512x3200xf32>
    %mul3A_18 = arith.mulf %mul3A_17, %dot_general3A_13 : vector<512x3200xf32>
    %sub3A = arith.subf %add3A_15, %mul3A_18 : vector<512x3200xf32>
    %reshape3A = vector.shape_cast %sub3A : vector<512x3200xf32> to vector<12800x128xf32>
    %swap3A = arith.constant 0 : index
    %swap3A_19 = arith.constant 0 : index
    %swap3A_20 = vector.load %arg4[%swap3A, %swap3A_19] : memref<12800x128xf32, #tpu.memory_space<vmem>>, vector<12800x128xf32>
    tpu.vector_store %arg4[%swap3A, %swap3A_19], %reshape3A {strides = array<i32>} : memref<12800x128xf32, #tpu.memory_space<vmem>>, vector<12800x128xf32>,
    %eq3A = arith.constant 0 : i32
    %eq3A_21 = arith.cmpi eq, %arg1, %eq3A : i32
    %get3A_22 = arith.constant 0 : index
    %get3A_23 = arith.constant 0 : index
    %get3A_24 = vector.load %arg6[%get3A_22, %get3A_23] : memref<512x3200xf32, #tpu.memory_space<vmem>>, vector<512x3200xf32>
    %min3A = arith.minimumf %get3A_24, %sub3A : vector<512x3200xf32>
    %select_n3A = arith.select %eq3A_21, %sub3A, %min3A : vector<512x3200xf32>
    %swap3A_25 = arith.constant 0 : index
    %swap3A_26 = arith.constant 0 : index
    %swap3A_27 = vector.load %arg6[%swap3A_25, %swap3A_26] : memref<512x3200xf32, #tpu.memory_space<vmem>>, vector<512x3200xf32>
    tpu.vector_store %arg6[%swap3A_25, %swap3A_26], %select_n3A {strides = array<i32>} : memref<512x3200xf32, #tpu.memory_space<vmem>>, vector<512x3200xf32>,
    %eq3A_28 = arith.constant 15 : i32
    %eq3A_29 = arith.cmpi eq, %arg1, %eq3A_28 : i32
    %convert_element_type3A_30 = arith.extui %eq3A_29 : i1 to i32
    %cond3A = arith.constant 0 : i32
    %cond3A_31 = arith.cmpi ne, %convert_element_type3A_30, %cond3A : i32
    scf.if %cond3A_31 {
      %get3A_32 = arith.constant 0 : index
      %get3A_33 = arith.constant 0 : index
      %get3A_34 = vector.load %arg6[%get3A_32, %get3A_33] : memref<512x3200xf32, #tpu.memory_space<vmem>>, vector<512x3200xf32>
      %iota3A_35 = tpu.iota {dimensions = array<i32: 1>} : vector<512x3200xi32>
      %iota3A_36 = tpu.iota {dimensions = array<i32: 1>} : vector<512x16xi32>
      %broadcast_in_dim3A_37 = arith.constant 0 : i32
      %broadcast_in_dim3A_38 = vector.broadcast %broadcast_in_dim3A_37 : i32 to vector<512x16xi32>
      %scan3A = arith.constant 0 : i32
      %scan3A_39 = arith.constant 16 : i32
      %scan3A_40 = arith.addi %scan3A, %scan3A_39 : i32
      %scan3A_41 = arith.constant 1 : i32
      %scan3A_42:2 = scf.for %scan3A_47 = %scan3A to %scan3A_40 step %scan3A_41 iter_args(%scan3A_48 = %get3A_34, %scan3A_49 = %broadcast_in_dim3A_38) -> (vector<512x3200xf32>, vector<512x16xi32>)  : i32 {
        %reduce_min3A = arith.constant dense<0x7F800000> : vector<512xf32>
        %reduce_min3A_50 = vector.multi_reduction <minimumf>, %scan3A_48, %reduce_min3A [1] : vector<512x3200xf32> to vector<512xf32>
        %broadcast_in_dim3A_51 = vector.shape_cast %reduce_min3A_50 : vector<512xf32> to vector<512x1xf32>
        %eq3A_52 = vector.broadcast %broadcast_in_dim3A_51 : vector<512x1xf32> to vector<512x3200xf32>
        %eq3A_53 = arith.cmpf oeq, %scan3A_48, %eq3A_52 : vector<512x3200xf32>
        %jit3A = arith.constant 1073741824 : i32
        %broadcast_in_dim3A_54 = vector.broadcast %jit3A : i32 to vector<512x3200xi32>
        %select_n3A_55 = arith.select %eq3A_53, %iota3A_35, %broadcast_in_dim3A_54 : vector<512x3200xi1>, vector<512x3200xi32>
        %reduce_min3A_56 = arith.constant dense<2147483647> : vector<512xi32>
        %reduce_min3A_57 = vector.multi_reduction <minsi>, %select_n3A_55, %reduce_min3A_56 [1] : vector<512x3200xi32> to vector<512xi32>
        %broadcast_in_dim3A_58 = vector.shape_cast %reduce_min3A_57 : vector<512xi32> to vector<512x1xi32>
        %eq3A_59 = vector.broadcast %scan3A_47 : i32 to vector<512x16xi32>
        %eq3A_60 = arith.cmpi eq, %iota3A_36, %eq3A_59 : vector<512x16xi32>
        %broadcast_in_dim3A_61 = vector.shape_cast %broadcast_in_dim3A_58 : vector<512x1xi32> to vector<512x1xi32>
        %broadcast_in_dim3A_62 = vector.broadcast %broadcast_in_dim3A_61 : vector<512x1xi32> to vector<512x16xi32>
        %select_n3A_63 = arith.select %eq3A_60, %broadcast_in_dim3A_62, %scan3A_49 : vector<512x16xi1>, vector<512x16xi32>
        %eq3A_64 = vector.broadcast %broadcast_in_dim3A_58 : vector<512x1xi32> to vector<512x3200xi32>
        %eq3A_65 = arith.cmpi eq, %iota3A_35, %eq3A_64 : vector<512x3200xi32>
        %jit3A_66 = arith.constant 1.000000e+09 : f32
        %broadcast_in_dim3A_67 = vector.broadcast %jit3A_66 : f32 to vector<512x3200xf32>
        %select_n3A_68 = arith.select %eq3A_65, %broadcast_in_dim3A_67, %scan3A_48 : vector<512x3200xi1>, vector<512x3200xf32>
        scf.yield %select_n3A_68, %select_n3A_63 : vector<512x3200xf32>, vector<512x16xi32>
      }
      %scan3A_43 = arith.constant 16 : i32
      %swap3A_44 = arith.constant 0 : index
      %swap3A_45 = arith.constant 0 : index
      %swap3A_46 = vector.load %arg5[%swap3A_44, %swap3A_45] : memref<512x16xi32, #tpu.memory_space<vmem>>, vector<512x16xi32>
      tpu.vector_store %arg5[%swap3A_44, %swap3A_45], %scan3A_42#1 {strides = array<i32>} : memref<512x16xi32, #tpu.memory_space<vmem>>, vector<512x16xi32>,
    } else {
    }
    return
  }
  func.func @transform_0(%arg0: i32, %arg1: i32) -> (i32, i32) {
    %c0_i32 = arith.constant 0 : i32
    %c0_i32_0 = arith.constant 0 : i32
    return %arg0, %c0_i32 : i32, i32
  }
  func.func @transform_1(%arg0: i32, %arg1: i32) -> (i32, i32) {
    %c0_i32 = arith.constant 0 : i32
    %c0_i32_0 = arith.constant 0 : i32
    return %c0_i32, %arg1 : i32, i32
  }
  func.func @transform_2(%arg0: i32, %arg1: i32) -> (i32, i32) {
    %mul3A = arith.constant 16 : i32
    %mul3A_0 = arith.muli %arg1, %mul3A : i32
    %add3A = arith.addi %mul3A_0, %arg0 : i32
    %c0_i32 = arith.constant 0 : i32
    %c0_i32_1 = arith.constant 0 : i32
    return %add3A, %c0_i32 : i32, i32
  }
  func.func @transform_3(%arg0: i32, %arg1: i32) -> (i32, i32) {
    %c0_i32 = arith.constant 0 : i32
    %c0_i32_0 = arith.constant 0 : i32
    return %arg0, %c0_i32 : i32, i32
  }
}

module attributes {stable_mosaic.version = 14 : i64} {
  func.func @_final_body(%arg0: i32, %arg1: memref<128x256xf32, #tpu.memory_space<vmem>>, %arg2: memref<128x256xi32, #tpu.memory_space<vmem>>, %arg3: memref<128x16xi32, #tpu.memory_space<vmem>>) attributes {dimension_semantics = [#tpu.dimension_semantics<arbitrary>], iteration_bounds = array<i64: 64>, scalar_prefetch = 0 : i64, scratch_operands = 0 : i64, tpu.core_type = #tpu.core_type<tc>, window_params = [{transform_indices = @transform_0, window_bounds = array<i64: 128, 256>}, {transform_indices = @transform_1, window_bounds = array<i64: 128, 256>}, {transform_indices = @transform_2, window_bounds = array<i64: 128, 16>}]} {
    %get3A = arith.constant 0 : index
    %get3A_0 = arith.constant 0 : index
    %get3A_1 = vector.load %arg1[%get3A, %get3A_0] : memref<128x256xf32, #tpu.memory_space<vmem>>, vector<128x256xf32>
    %get3A_2 = arith.constant 0 : index
    %get3A_3 = arith.constant 0 : index
    %get3A_4 = vector.load %arg2[%get3A_2, %get3A_3] : memref<128x256xi32, #tpu.memory_space<vmem>>, vector<128x256xi32>
    %iota3A = tpu.iota {dimensions = array<i32: 1>} : vector<128x16xi32>
    %broadcast_in_dim3A = arith.constant 0 : i32
    %broadcast_in_dim3A_5 = vector.broadcast %broadcast_in_dim3A : i32 to vector<128x16xi32>
    %scan3A = arith.constant 0 : i32
    %scan3A_6 = arith.constant 16 : i32
    %scan3A_7 = arith.addi %scan3A, %scan3A_6 : i32
    %scan3A_8 = arith.constant 1 : i32
    %scan3A_9:2 = scf.for %scan3A_13 = %scan3A to %scan3A_7 step %scan3A_8 iter_args(%scan3A_14 = %get3A_1, %scan3A_15 = %broadcast_in_dim3A_5) -> (vector<128x256xf32>, vector<128x16xi32>)  : i32 {
      %reduce_min3A = arith.constant dense<0x7F800000> : vector<128xf32>
      %reduce_min3A_16 = vector.multi_reduction <minimumf>, %scan3A_14, %reduce_min3A [1] : vector<128x256xf32> to vector<128xf32>
      %broadcast_in_dim3A_17 = vector.shape_cast %reduce_min3A_16 : vector<128xf32> to vector<128x1xf32>
      %eq3A = vector.broadcast %broadcast_in_dim3A_17 : vector<128x1xf32> to vector<128x256xf32>
      %eq3A_18 = arith.cmpf oeq, %scan3A_14, %eq3A : vector<128x256xf32>
      %jit3A = arith.constant 1073741824 : i32
      %broadcast_in_dim3A_19 = vector.broadcast %jit3A : i32 to vector<128x256xi32>
      %select_n3A = arith.select %eq3A_18, %get3A_4, %broadcast_in_dim3A_19 : vector<128x256xi1>, vector<128x256xi32>
      %reduce_min3A_20 = arith.constant dense<2147483647> : vector<128xi32>
      %reduce_min3A_21 = vector.multi_reduction <minsi>, %select_n3A, %reduce_min3A_20 [1] : vector<128x256xi32> to vector<128xi32>
      %broadcast_in_dim3A_22 = vector.shape_cast %reduce_min3A_21 : vector<128xi32> to vector<128x1xi32>
      %eq3A_23 = vector.broadcast %scan3A_13 : i32 to vector<128x16xi32>
      %eq3A_24 = arith.cmpi eq, %iota3A, %eq3A_23 : vector<128x16xi32>
      %broadcast_in_dim3A_25 = vector.shape_cast %broadcast_in_dim3A_22 : vector<128x1xi32> to vector<128x1xi32>
      %broadcast_in_dim3A_26 = vector.broadcast %broadcast_in_dim3A_25 : vector<128x1xi32> to vector<128x16xi32>
      %select_n3A_27 = arith.select %eq3A_24, %broadcast_in_dim3A_26, %scan3A_15 : vector<128x16xi1>, vector<128x16xi32>
      %eq3A_28 = vector.broadcast %broadcast_in_dim3A_22 : vector<128x1xi32> to vector<128x256xi32>
      %eq3A_29 = arith.cmpi eq, %get3A_4, %eq3A_28 : vector<128x256xi32>
      %jit3A_30 = arith.constant 1.000000e+09 : f32
      %broadcast_in_dim3A_31 = vector.broadcast %jit3A_30 : f32 to vector<128x256xf32>
      %select_n3A_32 = arith.select %eq3A_29, %broadcast_in_dim3A_31, %scan3A_14 : vector<128x256xi1>, vector<128x256xf32>
      scf.yield %select_n3A_32, %select_n3A_27 : vector<128x256xf32>, vector<128x16xi32>
    }
    %scan3A_10 = arith.constant 16 : i32
    %swap3A = arith.constant 0 : index
    %swap3A_11 = arith.constant 0 : index
    %swap3A_12 = vector.load %arg3[%swap3A, %swap3A_11] : memref<128x16xi32, #tpu.memory_space<vmem>>, vector<128x16xi32>
    tpu.vector_store %arg3[%swap3A, %swap3A_11], %scan3A_9#1 {strides = array<i32>} : memref<128x16xi32, #tpu.memory_space<vmem>>, vector<128x16xi32>,
    return
  }
  func.func @transform_0(%arg0: i32) -> (i32, i32) {
    %c0_i32 = arith.constant 0 : i32
    %c0_i32_0 = arith.constant 0 : i32
    return %arg0, %c0_i32 : i32, i32
  }
  func.func @transform_1(%arg0: i32) -> (i32, i32) {
    %c0_i32 = arith.constant 0 : i32
    %c0_i32_0 = arith.constant 0 : i32
    return %arg0, %c0_i32 : i32, i32
  }
  func.func @transform_2(%arg0: i32) -> (i32, i32) {
    %c0_i32 = arith.constant 0 : i32
    %c0_i32_0 = arith.constant 0 : i32
    return %arg0, %c0_i32 : i32, i32
  }
}

module attributes {stable_mosaic.version = 14 : i64} {
  func.func @_att_body(%arg0: i32, %arg1: memref<256x128xf32, #tpu.memory_space<vmem>>, %arg2: memref<256x16xf32, #tpu.memory_space<vmem>>, %arg3: memref<4096x16xf32, #tpu.memory_space<vmem>>, %arg4: memref<4096x128xf32, #tpu.memory_space<vmem>>, %arg5: memref<128x128xf32, #tpu.memory_space<vmem>>, %arg6: memref<1x128xf32, #tpu.memory_space<vmem>>, %arg7: memref<16x128xf32, #tpu.memory_space<vmem>>, %arg8: memref<1x128xf32, #tpu.memory_space<vmem>>, %arg9: memref<128x128xf32, #tpu.memory_space<vmem>>, %arg10: memref<1x128xf32, #tpu.memory_space<vmem>>, %arg11: memref<128x8xf32, #tpu.memory_space<vmem>>, %arg12: memref<1x8xf32, #tpu.memory_space<vmem>>, %arg13: memref<8x8xf32, #tpu.memory_space<vmem>>, %arg14: memref<1x8xf32, #tpu.memory_space<vmem>>, %arg15: memref<128x128xf32, #tpu.memory_space<vmem>>, %arg16: memref<1x128xf32, #tpu.memory_space<vmem>>, %arg17: memref<256x128xf32, #tpu.memory_space<vmem>>) attributes {dimension_semantics = [#tpu.dimension_semantics<arbitrary>], iteration_bounds = array<i64: 32>, scalar_prefetch = 0 : i64, scratch_operands = 0 : i64, tpu.core_type = #tpu.core_type<tc>, window_params = [{transform_indices = @transform_0, window_bounds = array<i64: 256, 128>}, {transform_indices = @transform_1, window_bounds = array<i64: 256, 16>}, {transform_indices = @transform_2, window_bounds = array<i64: 4096, 16>}, {transform_indices = @transform_3, window_bounds = array<i64: 4096, 128>}, {pipeline_mode = #tpu.pipeline_mode<synchronous>, transform_indices = @transform_4, window_bounds = array<i64: 128, 128>}, {pipeline_mode = #tpu.pipeline_mode<synchronous>, transform_indices = @transform_5, window_bounds = array<i64: 1, 128>}, {pipeline_mode = #tpu.pipeline_mode<synchronous>, transform_indices = @transform_6, window_bounds = array<i64: 16, 128>}, {pipeline_mode = #tpu.pipeline_mode<synchronous>, transform_indices = @transform_7, window_bounds = array<i64: 1, 128>}, {pipeline_mode = #tpu.pipeline_mode<synchronous>, transform_indices = @transform_8, window_bounds = array<i64: 128, 128>}, {pipeline_mode = #tpu.pipeline_mode<synchronous>, transform_indices = @transform_9, window_bounds = array<i64: 1, 128>}, {pipeline_mode = #tpu.pipeline_mode<synchronous>, transform_indices = @transform_10, window_bounds = array<i64: 128, 8>}, {pipeline_mode = #tpu.pipeline_mode<synchronous>, transform_indices = @transform_11, window_bounds = array<i64: 1, 8>}, {pipeline_mode = #tpu.pipeline_mode<synchronous>, transform_indices = @transform_12, window_bounds = array<i64: 8, 8>}, {pipeline_mode = #tpu.pipeline_mode<synchronous>, transform_indices = @transform_13, window_bounds = array<i64: 1, 8>}, {pipeline_mode = #tpu.pipeline_mode<synchronous>, transform_indices = @transform_14, window_bounds = array<i64: 128, 128>}, {pipeline_mode = #tpu.pipeline_mode<synchronous>, transform_indices = @transform_15, window_bounds = array<i64: 1, 128>}, {transform_indices = @transform_16, window_bounds = array<i64: 256, 128>}]} {
    %get3A = arith.constant 0 : index
    %get3A_0 = arith.constant 0 : index
    %get3A_1 = vector.load %arg1[%get3A, %get3A_0] : memref<256x128xf32, #tpu.memory_space<vmem>>, vector<256x128xf32>
    %get3A_2 = arith.constant 0 : index
    %get3A_3 = arith.constant 0 : index
    %get3A_4 = vector.load %arg5[%get3A_2, %get3A_3] : memref<128x128xf32, #tpu.memory_space<vmem>>, vector<128x128xf32>
    %dot_general3A = arith.constant dense<0.000000e+00> : vector<256x128xf32>
    %dot_general3A_5 = tpu.matmul %get3A_1, %get3A_4, %dot_general3A {dimension_numbers = #tpu.dot_dimension_numbers<[1], [0], [0], [1], [0, 0, 1, 1], [], []>, transpose_lhs_hint = false} : vector<256x128xf32>, vector<128x128xf32>, vector<256x128xf32> -> vector<256x128xf32>
    %get3A_6 = arith.constant 0 : index
    %get3A_7 = arith.constant 0 : index
    %get3A_8 = vector.load %arg6[%get3A_6, %get3A_7] : memref<1x128xf32, #tpu.memory_space<vmem>>, vector<1x128xf32>
    %add3A = vector.broadcast %get3A_8 : vector<1x128xf32> to vector<256x128xf32>
    %add3A_9 = arith.addf %dot_general3A_5, %add3A : vector<256x128xf32>
    %max3A = arith.constant 0.000000e+00 : f32
    %max3A_10 = vector.broadcast %max3A : f32 to vector<256x128xf32>
    %max3A_11 = arith.maximumf %add3A_9, %max3A_10 : vector<256x128xf32>
    %get3A_12 = arith.constant 0 : index
    %get3A_13 = arith.constant 0 : index
    %get3A_14 = vector.load %arg11[%get3A_12, %get3A_13] : memref<128x8xf32, #tpu.memory_space<vmem>>, vector<128x8xf32>
    %dot_general3A_15 = arith.constant dense<0.000000e+00> : vector<256x8xf32>
    %dot_general3A_16 = tpu.matmul %max3A_11, %get3A_14, %dot_general3A_15 {dimension_numbers = #tpu.dot_dimension_numbers<[1], [0], [0], [1], [0, 0, 1, 1], [], []>, transpose_lhs_hint = false} : vector<256x128xf32>, vector<128x8xf32>, vector<256x8xf32> -> vector<256x8xf32>
    %get3A_17 = arith.constant 0 : index
    %get3A_18 = arith.constant 0 : index
    %get3A_19 = vector.load %arg2[%get3A_17, %get3A_18] : memref<256x16xf32, #tpu.memory_space<vmem>>, vector<256x16xf32>
    %get3A_20 = arith.constant 0 : index
    %get3A_21 = arith.constant 0 : index
    %get3A_22 = vector.load %arg3[%get3A_20, %get3A_21] : memref<4096x16xf32, #tpu.memory_space<vmem>>, vector<4096x16xf32>
    %broadcast_in_dim3A = vector.shape_cast %get3A_19 : vector<256x16xf32> to vector<256x1x16xf32>
    %broadcast_in_dim3A_23 = vector.shape_cast %broadcast_in_dim3A : vector<256x1x16xf32> to vector<256x1x16xf32>
    %broadcast_in_dim3A_24 = vector.broadcast %broadcast_in_dim3A_23 : vector<256x1x16xf32> to vector<256x16x16xf32>
    %reshape3A = vector.shape_cast %broadcast_in_dim3A_24 : vector<256x16x16xf32> to vector<4096x16xf32>
    %sub3A = arith.subf %get3A_22, %reshape3A : vector<4096x16xf32>
    %get3A_25 = arith.constant 0 : index
    %get3A_26 = arith.constant 0 : index
    %get3A_27 = vector.load %arg7[%get3A_25, %get3A_26] : memref<16x128xf32, #tpu.memory_space<vmem>>, vector<16x128xf32>
    %dot_general3A_28 = arith.constant dense<0.000000e+00> : vector<4096x128xf32>
    %dot_general3A_29 = tpu.matmul %sub3A, %get3A_27, %dot_general3A_28 {dimension_numbers = #tpu.dot_dimension_numbers<[1], [0], [0], [1], [0, 0, 1, 1], [], []>, transpose_lhs_hint = false} : vector<4096x16xf32>, vector<16x128xf32>, vector<4096x128xf32> -> vector<4096x128xf32>
    %get3A_30 = arith.constant 0 : index
    %get3A_31 = arith.constant 0 : index
    %get3A_32 = vector.load %arg8[%get3A_30, %get3A_31] : memref<1x128xf32, #tpu.memory_space<vmem>>, vector<1x128xf32>
    %add3A_33 = vector.broadcast %get3A_32 : vector<1x128xf32> to vector<4096x128xf32>
    %add3A_34 = arith.addf %dot_general3A_29, %add3A_33 : vector<4096x128xf32>
    %max3A_35 = arith.constant 0.000000e+00 : f32
    %max3A_36 = vector.broadcast %max3A_35 : f32 to vector<4096x128xf32>
    %max3A_37 = arith.maximumf %add3A_34, %max3A_36 : vector<4096x128xf32>
    %get3A_38 = arith.constant 0 : index
    %get3A_39 = arith.constant 0 : index
    %get3A_40 = vector.load %arg9[%get3A_38, %get3A_39] : memref<128x128xf32, #tpu.memory_space<vmem>>, vector<128x128xf32>
    %get3A_41 = arith.constant 0 : index
    %get3A_42 = arith.constant 0 : index
    %get3A_43 = vector.load %arg11[%get3A_41, %get3A_42] : memref<128x8xf32, #tpu.memory_space<vmem>>, vector<128x8xf32>
    %dot_general3A_44 = arith.constant dense<0.000000e+00> : vector<128x8xf32>
    %dot_general3A_45 = tpu.matmul %get3A_40, %get3A_43, %dot_general3A_44 {dimension_numbers = #tpu.dot_dimension_numbers<[1], [0], [0], [1], [0, 0, 1, 1], [], []>, transpose_lhs_hint = false} : vector<128x128xf32>, vector<128x8xf32>, vector<128x8xf32> -> vector<128x8xf32>
    %get3A_46 = arith.constant 0 : index
    %get3A_47 = arith.constant 0 : index
    %get3A_48 = vector.load %arg10[%get3A_46, %get3A_47] : memref<1x128xf32, #tpu.memory_space<vmem>>, vector<1x128xf32>
    %get3A_49 = arith.constant 0 : index
    %get3A_50 = arith.constant 0 : index
    %get3A_51 = vector.load %arg11[%get3A_49, %get3A_50] : memref<128x8xf32, #tpu.memory_space<vmem>>, vector<128x8xf32>
    %dot_general3A_52 = arith.constant dense<0.000000e+00> : vector<1x8xf32>
    %dot_general3A_53 = tpu.matmul %get3A_48, %get3A_51, %dot_general3A_52 {dimension_numbers = #tpu.dot_dimension_numbers<[1], [0], [0], [1], [0, 0, 1, 1], [], []>, transpose_lhs_hint = false} : vector<1x128xf32>, vector<128x8xf32>, vector<1x8xf32> -> vector<1x8xf32>
    %dot_general3A_54 = arith.constant dense<0.000000e+00> : vector<4096x8xf32>
    %dot_general3A_55 = tpu.matmul %max3A_37, %dot_general3A_45, %dot_general3A_54 {dimension_numbers = #tpu.dot_dimension_numbers<[1], [0], [0], [1], [0, 0, 1, 1], [], []>, transpose_lhs_hint = false} : vector<4096x128xf32>, vector<128x8xf32>, vector<4096x8xf32> -> vector<4096x8xf32>
    %add3A_56 = vector.broadcast %dot_general3A_53 : vector<1x8xf32> to vector<4096x8xf32>
    %add3A_57 = arith.addf %dot_general3A_55, %add3A_56 : vector<4096x8xf32>
    %get3A_58 = arith.constant 0 : index
    %get3A_59 = arith.constant 0 : index
    %get3A_60 = vector.load %arg9[%get3A_58, %get3A_59] : memref<128x128xf32, #tpu.memory_space<vmem>>, vector<128x128xf32>
    %dot_general3A_61 = arith.constant dense<0.000000e+00> : vector<4096x128xf32>
    %dot_general3A_62 = tpu.matmul %max3A_37, %get3A_60, %dot_general3A_61 {dimension_numbers = #tpu.dot_dimension_numbers<[1], [0], [0], [1], [0, 0, 1, 1], [], []>, transpose_lhs_hint = false} : vector<4096x128xf32>, vector<128x128xf32>, vector<4096x128xf32> -> vector<4096x128xf32>
    %get3A_63 = arith.constant 0 : index
    %get3A_64 = arith.constant 0 : index
    %get3A_65 = vector.load %arg10[%get3A_63, %get3A_64] : memref<1x128xf32, #tpu.memory_space<vmem>>, vector<1x128xf32>
    %add3A_66 = vector.broadcast %get3A_65 : vector<1x128xf32> to vector<4096x128xf32>
    %add3A_67 = arith.addf %dot_general3A_62, %add3A_66 : vector<4096x128xf32>
    %slice3A = vector.extract_strided_slice %get3A_22 {offsets = [0, 0], sizes = [4096, 8], strides = [1, 1]} : vector<4096x16xf32> to vector<4096x8xf32>
    %broadcast_in_dim3A_68 = vector.shape_cast %dot_general3A_16 : vector<256x8xf32> to vector<256x1x8xf32>
    %broadcast_in_dim3A_69 = vector.shape_cast %broadcast_in_dim3A_68 : vector<256x1x8xf32> to vector<256x1x8xf32>
    %broadcast_in_dim3A_70 = vector.broadcast %broadcast_in_dim3A_69 : vector<256x1x8xf32> to vector<256x16x8xf32>
    %reshape3A_71 = vector.shape_cast %broadcast_in_dim3A_70 : vector<256x16x8xf32> to vector<4096x8xf32>
    %add3A_72 = arith.addf %slice3A, %add3A_57 : vector<4096x8xf32>
    %sub3A_73 = arith.subf %add3A_72, %reshape3A_71 : vector<4096x8xf32>
    %get3A_74 = arith.constant 0 : index
    %get3A_75 = arith.constant 0 : index
    %get3A_76 = vector.load %arg12[%get3A_74, %get3A_75] : memref<1x8xf32, #tpu.memory_space<vmem>>, vector<1x8xf32>
    %add3A_77 = vector.broadcast %get3A_76 : vector<1x8xf32> to vector<4096x8xf32>
    %add3A_78 = arith.addf %sub3A_73, %add3A_77 : vector<4096x8xf32>
    %max3A_79 = arith.constant 0.000000e+00 : f32
    %max3A_80 = vector.broadcast %max3A_79 : f32 to vector<4096x8xf32>
    %max3A_81 = arith.maximumf %add3A_78, %max3A_80 : vector<4096x8xf32>
    %get3A_82 = arith.constant 0 : index
    %get3A_83 = arith.constant 0 : index
    %get3A_84 = vector.load %arg13[%get3A_82, %get3A_83] : memref<8x8xf32, #tpu.memory_space<vmem>>, vector<8x8xf32>
    %dot_general3A_85 = arith.constant dense<0.000000e+00> : vector<4096x8xf32>
    %dot_general3A_86 = tpu.matmul %max3A_81, %get3A_84, %dot_general3A_85 {dimension_numbers = #tpu.dot_dimension_numbers<[1], [0], [0], [1], [0, 0, 1, 1], [], []>, transpose_lhs_hint = false} : vector<4096x8xf32>, vector<8x8xf32>, vector<4096x8xf32> -> vector<4096x8xf32>
    %get3A_87 = arith.constant 0 : index
    %get3A_88 = arith.constant 0 : index
    %get3A_89 = vector.load %arg14[%get3A_87, %get3A_88] : memref<1x8xf32, #tpu.memory_space<vmem>>, vector<1x8xf32>
    %add3A_90 = vector.broadcast %get3A_89 : vector<1x8xf32> to vector<4096x8xf32>
    %add3A_91 = arith.addf %dot_general3A_86, %add3A_90 : vector<4096x8xf32>
    %reshape3A_92 = vector.shape_cast %add3A_91 : vector<4096x8xf32> to vector<256x16x8xf32>
    %reduce_max3A = arith.constant dense<0xFF800000> : vector<256x8xf32>
    %reduce_max3A_93 = vector.multi_reduction <maximumf>, %reshape3A_92, %reduce_max3A [1] : vector<256x16x8xf32> to vector<256x8xf32>
    %broadcast_in_dim3A_94 = vector.shape_cast %reduce_max3A_93 : vector<256x8xf32> to vector<256x1x8xf32>
    %sub3A_95 = vector.broadcast %broadcast_in_dim3A_94 : vector<256x1x8xf32> to vector<256x16x8xf32>
    %sub3A_96 = arith.subf %reshape3A_92, %sub3A_95 : vector<256x16x8xf32>
    %exp3A = math.exp %sub3A_96 : vector<256x16x8xf32>
    %reduce_sum3A = arith.constant dense<0.000000e+00> : vector<256x8xf32>
    %reduce_sum3A_97 = vector.multi_reduction <add>, %exp3A, %reduce_sum3A [1] : vector<256x16x8xf32> to vector<256x8xf32>
    %broadcast_in_dim3A_98 = vector.shape_cast %reduce_sum3A_97 : vector<256x8xf32> to vector<256x1x8xf32>
    %div3A = vector.broadcast %broadcast_in_dim3A_98 : vector<256x1x8xf32> to vector<256x16x8xf32>
    %div3A_99 = arith.divf %exp3A, %div3A : vector<256x16x8xf32>
    %iota3A = tpu.iota {dimensions = array<i32: 0>} : vector<8x128xi32>
    %iota3A_100 = tpu.iota {dimensions = array<i32: 1>} : vector<8x128xi32>
    %jit3A = arith.constant 16 : i32
    %div3A_101 = vector.broadcast %jit3A : i32 to vector<8x128xi32>
    %div3A_102 = arith.divsi %iota3A_100, %div3A_101 : vector<8x128xi32>
    %sign3A = arith.constant 0 : i32
    %sign3A_103 = vector.broadcast %sign3A : i32 to vector<8x128xi32>
    %sign3A_104 = arith.cmpi sgt, %iota3A_100, %sign3A_103 : vector<8x128xi32>
    %sign3A_105 = arith.extui %sign3A_104 : vector<8x128xi1> to vector<8x128xi32>
    %sign3A_106 = arith.constant 0 : i32
    %sign3A_107 = vector.broadcast %sign3A_106 : i32 to vector<8x128xi32>
    %sign3A_108 = arith.cmpi slt, %iota3A_100, %sign3A_107 : vector<8x128xi32>
    %sign3A_109 = arith.extui %sign3A_108 : vector<8x128xi1> to vector<8x128xi32>
    %sign3A_110 = arith.subi %sign3A_105, %sign3A_109 : vector<8x128xi32>
    %sign3A_111 = arith.constant 0 : i32
    %sign3A_112 = arith.cmpi sgt, %jit3A, %sign3A_111 : i32
    %sign3A_113 = arith.extui %sign3A_112 : i1 to i32
    %sign3A_114 = arith.constant 0 : i32
    %sign3A_115 = arith.cmpi slt, %jit3A, %sign3A_114 : i32
    %sign3A_116 = arith.extui %sign3A_115 : i1 to i32
    %sign3A_117 = arith.subi %sign3A_113, %sign3A_116 : i32
    %ne3A = vector.broadcast %sign3A_117 : i32 to vector<8x128xi32>
    %ne3A_118 = arith.cmpi ne, %sign3A_110, %ne3A : vector<8x128xi32>
    %rem3A = vector.broadcast %jit3A : i32 to vector<8x128xi32>
    %rem3A_119 = arith.remsi %iota3A_100, %rem3A : vector<8x128xi32>
    %ne3A_120 = arith.constant 0 : i32
    %ne3A_121 = vector.broadcast %ne3A_120 : i32 to vector<8x128xi32>
    %ne3A_122 = arith.cmpi ne, %rem3A_119, %ne3A_121 : vector<8x128xi32>
    %and3A = arith.andi %ne3A_118, %ne3A_122 : vector<8x128xi1>
    %sub3A_123 = arith.constant 1 : i32
    %sub3A_124 = vector.broadcast %sub3A_123 : i32 to vector<8x128xi32>
    %sub3A_125 = arith.subi %div3A_102, %sub3A_124 : vector<8x128xi32>
    %select_n3A = arith.select %and3A, %sub3A_125, %div3A_102 : vector<8x128xi1>, vector<8x128xi32>
    %eq3A = arith.cmpi eq, %select_n3A, %iota3A : vector<8x128xi32>
    %convert_element_type3A = arith.extui %eq3A : vector<8x128xi1> to vector<8x128xi32>
    %convert_element_type3A_126 = arith.sitofp %convert_element_type3A : vector<8x128xi32> to vector<8x128xf32>
    %reshape3A_127 = vector.shape_cast %div3A_99 : vector<256x16x8xf32> to vector<4096x8xf32>
    %dot_general3A_128 = arith.constant dense<0.000000e+00> : vector<4096x128xf32>
    %dot_general3A_129 = tpu.matmul %reshape3A_127, %convert_element_type3A_126, %dot_general3A_128 {dimension_numbers = #tpu.dot_dimension_numbers<[1], [0], [0], [1], [0, 0, 1, 1], [], []>, transpose_lhs_hint = false} : vector<4096x8xf32>, vector<8x128xf32>, vector<4096x128xf32> -> vector<4096x128xf32>
    %get3A_130 = arith.constant 0 : index
    %get3A_131 = arith.constant 0 : index
    %get3A_132 = vector.load %arg4[%get3A_130, %get3A_131] : memref<4096x128xf32, #tpu.memory_space<vmem>>, vector<4096x128xf32>
    %add3A_133 = arith.addf %get3A_132, %add3A_67 : vector<4096x128xf32>
    %mul3A = arith.mulf %dot_general3A_129, %add3A_133 : vector<4096x128xf32>
    %reshape3A_134 = vector.shape_cast %mul3A : vector<4096x128xf32> to vector<256x16x128xf32>
    %reduce_sum3A_135 = arith.constant dense<0.000000e+00> : vector<256x128xf32>
    %reduce_sum3A_136 = vector.multi_reduction <add>, %reshape3A_134, %reduce_sum3A_135 [1] : vector<256x16x128xf32> to vector<256x128xf32>
    %get3A_137 = arith.constant 0 : index
    %get3A_138 = arith.constant 0 : index
    %get3A_139 = vector.load %arg15[%get3A_137, %get3A_138] : memref<128x128xf32, #tpu.memory_space<vmem>>, vector<128x128xf32>
    %dot_general3A_140 = arith.constant dense<0.000000e+00> : vector<256x128xf32>
    %dot_general3A_141 = tpu.matmul %reduce_sum3A_136, %get3A_139, %dot_general3A_140 {dimension_numbers = #tpu.dot_dimension_numbers<[1], [0], [0], [1], [0, 0, 1, 1], [], []>, transpose_lhs_hint = false} : vector<256x128xf32>, vector<128x128xf32>, vector<256x128xf32> -> vector<256x128xf32>
    %get3A_142 = arith.constant 0 : index
    %get3A_143 = arith.constant 0 : index
    %get3A_144 = vector.load %arg16[%get3A_142, %get3A_143] : memref<1x128xf32, #tpu.memory_space<vmem>>, vector<1x128xf32>
    %add3A_145 = vector.broadcast %get3A_144 : vector<1x128xf32> to vector<256x128xf32>
    %add3A_146 = arith.addf %dot_general3A_141, %add3A_145 : vector<256x128xf32>
    %max3A_147 = arith.constant 0.000000e+00 : f32
    %max3A_148 = vector.broadcast %max3A_147 : f32 to vector<256x128xf32>
    %max3A_149 = arith.maximumf %add3A_146, %max3A_148 : vector<256x128xf32>
    %swap3A = arith.constant 0 : index
    %swap3A_150 = arith.constant 0 : index
    %swap3A_151 = vector.load %arg17[%swap3A, %swap3A_150] : memref<256x128xf32, #tpu.memory_space<vmem>>, vector<256x128xf32>
    tpu.vector_store %arg17[%swap3A, %swap3A_150], %max3A_149 {strides = array<i32>} : memref<256x128xf32, #tpu.memory_space<vmem>>, vector<256x128xf32>,
    return
  }
  func.func @transform_0(%arg0: i32) -> (i32, i32) {
    %c0_i32 = arith.constant 0 : i32
    %c0_i32_0 = arith.constant 0 : i32
    return %arg0, %c0_i32 : i32, i32
  }
  func.func @transform_1(%arg0: i32) -> (i32, i32) {
    %c0_i32 = arith.constant 0 : i32
    %c0_i32_0 = arith.constant 0 : i32
    return %arg0, %c0_i32 : i32, i32
  }
  func.func @transform_2(%arg0: i32) -> (i32, i32) {
    %c0_i32 = arith.constant 0 : i32
    %c0_i32_0 = arith.constant 0 : i32
    return %arg0, %c0_i32 : i32, i32
  }
  func.func @transform_3(%arg0: i32) -> (i32, i32) {
    %c0_i32 = arith.constant 0 : i32
    %c0_i32_0 = arith.constant 0 : i32
    return %arg0, %c0_i32 : i32, i32
  }
  func.func @transform_4(%arg0: i32) -> (i32, i32) {
    %c0_i32 = arith.constant 0 : i32
    %c0_i32_0 = arith.constant 0 : i32
    %c0_i32_1 = arith.constant 0 : i32
    return %c0_i32, %c0_i32_0 : i32, i32
  }
  func.func @transform_5(%arg0: i32) -> (i32, i32) {
    %c0_i32 = arith.constant 0 : i32
    %c0_i32_0 = arith.constant 0 : i32
    %c0_i32_1 = arith.constant 0 : i32
    return %c0_i32, %c0_i32_0 : i32, i32
  }
  func.func @transform_6(%arg0: i32) -> (i32, i32) {
    %c0_i32 = arith.constant 0 : i32
    %c0_i32_0 = arith.constant 0 : i32
    %c0_i32_1 = arith.constant 0 : i32
    return %c0_i32, %c0_i32_0 : i32, i32
  }
  func.func @transform_7(%arg0: i32) -> (i32, i32) {
    %c0_i32 = arith.constant 0 : i32
    %c0_i32_0 = arith.constant 0 : i32
    %c0_i32_1 = arith.constant 0 : i32
    return %c0_i32, %c0_i32_0 : i32, i32
  }
  func.func @transform_8(%arg0: i32) -> (i32, i32) {
    %c0_i32 = arith.constant 0 : i32
    %c0_i32_0 = arith.constant 0 : i32
    %c0_i32_1 = arith.constant 0 : i32
    return %c0_i32, %c0_i32_0 : i32, i32
  }
  func.func @transform_9(%arg0: i32) -> (i32, i32) {
    %c0_i32 = arith.constant 0 : i32
    %c0_i32_0 = arith.constant 0 : i32
    %c0_i32_1 = arith.constant 0 : i32
    return %c0_i32, %c0_i32_0 : i32, i32
  }
  func.func @transform_10(%arg0: i32) -> (i32, i32) {
    %c0_i32 = arith.constant 0 : i32
    %c0_i32_0 = arith.constant 0 : i32
    %c0_i32_1 = arith.constant 0 : i32
    return %c0_i32, %c0_i32_0 : i32, i32
  }
  func.func @transform_11(%arg0: i32) -> (i32, i32) {
    %c0_i32 = arith.constant 0 : i32
    %c0_i32_0 = arith.constant 0 : i32
    %c0_i32_1 = arith.constant 0 : i32
    return %c0_i32, %c0_i32_0 : i32, i32
  }
  func.func @transform_12(%arg0: i32) -> (i32, i32) {
    %c0_i32 = arith.constant 0 : i32
    %c0_i32_0 = arith.constant 0 : i32
    %c0_i32_1 = arith.constant 0 : i32
    return %c0_i32, %c0_i32_0 : i32, i32
  }
  func.func @transform_13(%arg0: i32) -> (i32, i32) {
    %c0_i32 = arith.constant 0 : i32
    %c0_i32_0 = arith.constant 0 : i32
    %c0_i32_1 = arith.constant 0 : i32
    return %c0_i32, %c0_i32_0 : i32, i32
  }
  func.func @transform_14(%arg0: i32) -> (i32, i32) {
    %c0_i32 = arith.constant 0 : i32
    %c0_i32_0 = arith.constant 0 : i32
    %c0_i32_1 = arith.constant 0 : i32
    return %c0_i32, %c0_i32_0 : i32, i32
  }
  func.func @transform_15(%arg0: i32) -> (i32, i32) {
    %c0_i32 = arith.constant 0 : i32
    %c0_i32_0 = arith.constant 0 : i32
    %c0_i32_1 = arith.constant 0 : i32
    return %c0_i32, %c0_i32_0 : i32, i32
  }
  func.func @transform_16(%arg0: i32) -> (i32, i32) {
    %c0_i32 = arith.constant 0 : i32
    %c0_i32_0 = arith.constant 0 : i32
    return %arg0, %c0_i32 : i32, i32
  }
}

</mosaic_0001>

<sc_bundles>
// kernel: kernel.12.cloned.1.call-start
scs
__scs_entry_jumppad:
0x0: {  	(pc) =	sbr.rel $0x88, $3  }
0x1: {  	(tag) =	ssettag $0x0;
	lr =	simm.s32 $0x1  }
0x2: {  	[smem:$0x3F8E] =	sst lr;
	_ =	strace $0xD0000000  }
0x3: {  	_ = 	snop  }
0x4: {  	_ = 	snop  }
0x5: {  	_ = 	snop  }
0x6: {  	_ = 	snop  }
0x7: {  	_ = 	snop  }
__scs_overlays_trampoline_lowered:
0x8: {  	[smem:$0x3F9D] =	sst s0  }
0x9: {  	[smem:$0x3F9E] =	sst s1  }
0xa: {  	[smem:$0x3F9F] =	sst s2  }
0xb: {  	[smem:$0x3FA0] =	sst s3  }
0xc: {  	[smem:$0x3FA1] =	sst s4  }
0xd: {  	[smem:$0x3FA2] =	sst s5  }
0xe: {  	[smem:$0x3FA3] =	sst s6  }
0xf: {  	[smem:$0x3FA4] =	sst s7  }
0x10: {  	[smem:$0x3FA5] =	sst s8  }
0x11: {  	[smem:$0x3FA6] =	sst s9;
	s0 =	simm.s32 @!p0 $0x0  }
0x12: {  	s1 =	sld [smem:$0x3F8C];
	s0 =	simm.s32 @p0 $0x1  }
0x13: {  	[smem:$0x3FA7] =	sst s0;
	s0 =	simm.s32 @!p1 $0x0  }
0x14: {  	s2 =	sld [smem:$0x3F8B];
	s0 =	simm.s32 @p1 $0x1  }
0x15: {  	[smem:$0x3FA8] =	sst s0;
	s0 =	simm.s32 @!p2 $0x0  }
0x16: {  	s3 =	sld [smem:$0x3FDB];
	s0 =	simm.s32 @p2 $0x1  }
0x17: {  	s4 =	simm.s32 $0x1BF5;
	[smem:$0x3FAA] =	sst s0  }
0x18: {  	s0 =	sld [smem:$0x3F8D];
	_ =	swait.ge [sflag:s4], $0x0  }
0x19: {  	s7 =	sld [smem:$0x3F8E]  }
0x1a: {  	s8 =	sadd.s32 $0xFFFFE003, lr  }
0x1b: {  	s9 =	sadd.s32 $0xFFFFFEF7, lr;
	s5 =	simm.s32 $0xFFFFFFFF;
	p2 =	slt.u32 s8, $0xFFFFF086  }
0x1c: {  	p1 =	slt.u32 s9, $0xF7A;
	s5 =	simm.s32 @!p2 $0x0  }
0x1d: {  	s5 =	simm.s32 @p1 $0x1;
	p0 =	seq.s32 s7, s2  }
0x1e: {  	s7 =	smul.u32 @!p0 $0xF7A, s2;
	p2 =	seq.s32 @!p0 s5, $0x0  }
0x1f: {  	s9 =	smul.u32 $0xF7A, s1;
	s8 =	simm.s32 @!p0 $0x1BF5;
	p2 =	por !p2, p0  }
0x20: {  	[sflag:s8] =	ssyncset.s32 @!p0 $0xFFFFF086;
	s6 =	sadd.s32 @!p0 s3, s7;
	s7 =	simm.s32 @!p0 $0x108  }
0x21: {  	s3 =	sadd.s32 s3, s9;
	s6 =	sadd.s32 @!p0 $0x88, s6;
	s7 =	simm.s32 @p2 $0x1082  }
0x22: {  	[simem:s7], [sflag:s8] =	dma.local @!p0 [hbm:s6], $0xF7A  }
0x23: {  	s9 =	sor.u32 $0xD0000000, s2;
	s6 =	simm.s32 $0x108;
	_ =	swait.ge @!p0 [sflag:s8], $0x0  }
0x24: {  	s3 =	sadd.s32 $0x88, s3;
	s6 =	simm.s32 @!p1 $0x1082;
	[sflag:s4] =	ssyncset.s32 $0xFFFFF086  }
0x25: {  	[simem:s6], [sflag:s4] =	dma.local [hbm:s3], $0xF7A  }
0x26: {  	[smem:$0x3F8E] =	sst s1;
	(tag) =	ssettag s2;
	_ =	strace s9  }
0x27: {  	s1 =	sld [smem:$0x3F9E]  }
0x28: {  	s2 =	sld [smem:$0x3F9F]  }
0x29: {  	s4 =	sld [smem:$0x3FA1]  }
0x2a: {  	p0 =	seq.s32 s5, $0x0;
	s5 =	sld [smem:$0x3FA2]  }
0x2b: {  	s6 =	sld [smem:$0x3FA3]  }
0x2c: {  	s7 =	sld [smem:$0x3FA4]  }
0x2d: {  	s3 =	simm.s32 $0x108;
	s8 =	sld [smem:$0x3FA5]  }
0x2e: {  	s3 =	simm.s32 @!p0 $0x1082;
	s9 =	sld [smem:$0x3FA6]  }
0x2f: {  	lr =	sadd.s32 s0, s3;
	s0 =	sld [smem:$0x3F9D]  }
0x30: {  	s3 =	sld [smem:$0x3FA0]  }
0x31: {  	[smem:$0x3FA9] =	sst s10  }
0x32: {  	s10 =	sld [smem:$0x3FA7];
	_ =	sdelay $0x3  }
0x33: {  	p0 =	seq.s32 s10, $0x1;
	s10 =	sld [smem:$0x3FA9];
	_ =	sdelay $0x3  }
0x34: {  	[smem:$0x3FA9] =	sst s10  }
0x35: {  	s10 =	sld [smem:$0x3FA8];
	_ =	sdelay $0x3  }
0x36: {  	p1 =	seq.s32 s10, $0x1;
	s10 =	sld [smem:$0x3FA9];
	_ =	sdelay $0x3  }
0x37: {  	[smem:$0x3FA9] =	sst s10  }
0x38: {  	s10 =	sld [smem:$0x3FAA]  }
0x39: {  	_ = 	snop;
	(pc) =	sbr.ind lr, $3  }
0x3a: {  	_ = 	snop  }
0x3b: {  	_ = 	snop  }
0x3c: {  	p2 =	seq.s32 s10, $0x1;
	s10 =	sld [smem:$0x3FA9]  }
0x3d: {  	_ =	shalt  }
0x3e: {  	_ =	shalt  }
0x3f: {  	_ =	shalt  }
0x40: {  	_ =	shalt  }
0x41: {  	_ =	shalt  }
0x42: {  	_ =	shalt  }
0x43: {  	_ =	shalt  }
0x44: {  	_ =	shalt  }
0x45: {  	_ =	shalt  }
0x46: {  	_ =	shalt  }
0x47: {  	_ =	shalt  }
0x48: {  	_ =	shalt  }
0x49: {  	_ =	shalt  }
0x4a: {  	_ =	shalt  }
0x4b: {  	_ =	shalt  }
0x4c: {  	_ =	shalt  }
0x4d: {  	_ =	shalt  }
0x4e: {  	_ =	shalt  }
0x4f: {  	_ =	shalt  }
0x50: {  	_ =	shalt  }
0x51: {  	_ =	shalt  }
0x52: {  	_ =	shalt  }
0x53: {  	_ =	shalt  }
0x54: {  	_ =	shalt  }
0x55: {  	_ =	shalt  }
0x56: {  	_ =	shalt  }
0x57: {  	_ =	shalt  }
0x58: {  	_ =	shalt  }
0x59: {  	_ =	shalt  }
0x5a: {  	_ =	shalt  }
0x5b: {  	_ =	shalt  }
0x5c: {  	_ =	shalt  }
0x5d: {  	_ =	shalt  }
0x5e: {  	_ =	shalt  }
0x5f: {  	_ =	shalt  }
0x60: {  	_ =	shalt  }
0x61: {  	_ =	shalt  }
0x62: {  	_ =	shalt  }
0x63: {  	_ =	shalt  }
0x64: {  	_ =	shalt  }
0x65: {  	_ =	shalt  }
0x66: {  	_ =	shalt  }
0x67: {  	_ =	shalt  }
0x68: {  	_ =	shalt  }
0x69: {  	_ =	shalt  }
0x6a: {  	_ =	shalt  }
0x6b: {  	_ =	shalt  }
0x6c: {  	_ =	shalt  }
0x6d: {  	_ =	shalt  }
0x6e: {  	_ =	shalt  }
0x6f: {  	_ =	shalt  }
0x70: {  	_ =	shalt  }
0x71: {  	_ =	shalt  }
0x72: {  	_ =	shalt  }
0x73: {  	_ =	shalt  }
0x74: {  	_ =	shalt  }
0x75: {  	_ =	shalt  }
0x76: {  	_ =	shalt  }
0x77: {  	_ =	shalt  }
0x78: {  	_ =	shalt  }
0x79: {  	_ =	shalt  }
0x7a: {  	_ =	shalt  }
0x7b: {  	_ =	shalt  }
0x7c: {  	_ =	shalt  }
0x7d: {  	_ =	shalt  }
0x7e: {  	_ =	shalt  }
0x7f: {  	_ =	shalt  }
0x80: {  	_ =	shalt  }
0x81: {  	_ =	shalt  }
0x82: {  	_ =	shalt  }
0x83: {  	_ =	shalt  }
0x84: {  	_ =	shalt  }
0x85: {  	_ =	shalt  }
0x86: {  	_ =	shalt  }
0x87: {  	_ =	shalt  }
.Lfunc_end0:
.L_simem_size_0:
called_computation.1_lowered:
.L_overlay_start_0:
0x88: {  	s2 =	sld [smem:$0x3FD9]  }
0x89: {  	s3 =	sld [smem:$0x3FFE];
	_ =	sdelay $0x1  }
0x8a: {  	s1 =	srdreg.scid  }
0x8b: {  	s0 =	sand.u32 $0x1, s1  }
0x8c: {  	s16 =	sshll.u32 s0, $0xA;
	s2 =	sadd.s32 s3, s2  }
0x8d: {  	s2 =	sadd.s32 s2, s16  }
0x8e: {  	[smem:$0x3FB5] =	sst s2  }
0x8f: {  	_ = 	snop  }
0x90: {  	(tm) =	ssettm $0x1  }
0x91: {  	s17 =	sld [smem:$0x3FFB];
	_ =	sdelay $0x3  }
0x92: {  	_ =	strace s17  }
0x93: {  	s2 =	sld [smem:$0x3FFC];
	_ =	sdelay $0x3  }
0x94: {  	_ =	strace s2  }
0x95: {  	s2 =	sld [smem:$0x3FFD];
	_ =	sdelay $0x3  }
0x96: {  	_ =	strace s2  }
0x97: {  	_ =	strace $0x8FFFFFFF  }
0x98: {  	s18 =	sld [smem:$0x3FDB];
	_ =	sdelay $0x1  }
0x99: {  	s19 =	simm.s32 $_scs_section_size  }
0x9a: {  	s4 =	simm.s32 $_size__tile_overlayer_lowered;
	s5 =	simm.s32 $_tile_overlayer_lowered  }
0x9b: {  	s22 =	simm.s32 $0x1BFF;
	s21 =	sshll.u32 s5, $0x1;
	s2 =	sadd.s32 s19, s18  }
0x9c: {  	s6 =	simm.s32 $0x0;
	s20 =	sshll.u32 s4, $0x1;
	s4 =	sadd.s32 s21, s2  }
0x9d: {  	[timem:s6], [sflag:s22] =	dma.local [hbm:s4], s20  }
0x9e: {  	_ =	swait.ge [sflag:s22], s20  }
0x9f: {  	s3 =	ssub.s32 $0x0, s20;
	[sflag:s22] =	ssyncset.done $0x0  }
0xa0: {  	[sflag:s22] =	ssyncadd.s32 s3;
	_ =	sdelay $0x1  }
0xa1: {  	s23 =	simm.s32 $0x1B8B  }
0xa2: {  	_ =	swait.ge [sflag:s23], $0x1  }
0xa3: {  	[sflag:s23] =	ssyncset.done $0x0  }
0xa4: {  	s25 =	simm.s32 $0x1B8E;
	s24 =	sld [smem:$0x3FFE];
	[sflag:s23] =	ssyncadd.s32 $0xFFFFFFFF  }
0xa5: {  	s26 =	simm.s32 $execute0_lowered;
	[smem:$0x3FD2] =	sst s25  }
0xa6: {  	s4 =	sshll.u32 s26, $0x1;
	_ =	strace $0x80000049;
	[dreg:$0x1] =	wrdreg $0xFFFFFFFF  }
0xa7: {  	s28 =	simm.s32 $_size_execute0_lowered;
	s2 =	sadd.s32 s2, s4;
	[dreg:$0x0] =	wrdreg $0x0  }
0xa8: {  	s4 =	sshll.u32 s28, $0x1;
	[dreg:$0x2] =	wrdreg s2  }
0xa9: {  	[dreg:$0x3] =	wrdreg s4  }
0xaa: {  	[dreg:$0x4] =	wrdreg $0xC0  }
0xab: {  	_ =	task [dreg:s6], $0x5FFFF  }
0xac: {  	[dreg:$0x1] =	wrdreg $0xFFFFFFFF  }
0xad: {  	[dreg:$0x0] =	wrdreg $0x60  }
0xae: {  	[dreg:$0x2] =	wrdreg s24  }
0xaf: {  	[dreg:$0x3] =	wrdreg $0x9  }
0xb0: {  	_ =	task.clear_ibuf [dreg:s6], $0x4FFFF;
	_ =	strace $0x90000049  }
0xb1: {  	s29 =	simm.s32 $0x9;
	_ =	strace $0x8000004B  }
0xb2: {  	_ =	swait.ge [sflag:s29], $0x1  }
0xb3: {  	[sflag:s29] =	ssyncadd.s32 $0xFFFFFFFF  }
0xb4: {  	_ =	strace $0x9000004B  }
0xb5: {  	_ =	sfence  }
0xb6: {  	s30 =	sld [smem:$0x0];
	_ =	sdelay $0x2  }
0xb7: {  	s31 =	sshll.u32 s1, $0xD;
	s1 =	sshrl.u32 s1, $0x2  }
0xb8: {  	s3 =	sand.u32 $0x4000, s31;
	s1 =	sadd.s32 s1, s30  }
0xb9: {  	s0 =	sor.u32 s3, s0;
	s1 =	sshll.u32 s1, $0x11  }
0xba: {  	s0 =	sor.u32 s1, s0  }
0xbb: {  	s0 =	sadd.s32 $0x8F2B, s0  }
0xbc: {  	[sflag:s0] =	ssyncadd.remote.s32 $0x1  }
0xbd: {  	_ =	sfence.sel $0xFFFF  }
0xbe: {  	[dreg:$0x0] =	wrdreg $0xFFFFFFFF;
	(pc) =	sbr.abs _section_cstart, $3  }
0xbf: {  	[dreg:$0x1] =	wrdreg $0xFFFFFFFF  }
0xc0: {  	_ =	task.clear_ibuf [dreg:s6], $0x2FFFF;
	_ =	strace $0x9FFFFFFF  }
0xc1: {  	(tm) =	ssettm $0x7FFFFFFF  }
tec
execute0_lowered:
.L_overlay_start_1:
0x0: {  	(tag) =	ssettag $0x1  }
0x1: {  	s3 =	rddreg [dreg:$0x0];
	s1 =	srdreg.scid  }
0x2: {  	s0 =	rddreg [dreg:$0x1];
	s2 =	simm.s32 $0x0;
	s8 =	simm.s32 $0x1000  }
0x3: {  	s9 =	simm.s32 $0x1;
	s10 =	simm.s32 $0x0;
	s4 =	sand.u32 $0x1, s1  }
0x4: {  	[smem:$0x7FF] =	sst s2;
	s1 =	stileid.u32;
	s5 =	ssub.s32 $0x2, s4  }
0x5: {  	_ =	strace $0x8000004A;
	s6 =	sshll.u32 s1, $0xE;
	s31 =	sshll.u32 s4, $0xD  }
0x6: {  	s7 =	sshrl.u32 s5, $0x1;
	s6 =	sadd.s32 s6, s3;
	s3 =	sadd.s32 $0x24F200, s3  }
0x7: {  	s5 =	ssub.s32 s5, s7;
	s6 =	sadd.s32 s31, s6;
	s7 =	simm.s32 $0x2  }
0x8: {  	s4 =	smax.u32 s5, $0x1;
	s5 =	sadd.s32 $0xC8600, s6;
	s6 =	sadd.s32 $0x5D800, s6  }
.LBB2_1:
0x9: {  	s11 =	sadd.s32 $0x0, s6  }
0xa: {  	[tilespmem:s2], [sflag:$0x2] =	stream.linear.gather [hbm4b:s11+s2], $0x1000, $0x38;
	[tilespmem:$0x2000] =	vst v63  }
0xb: {  	_ =	swait.ge [sflag:s7], $0x1000  }
0xc: {  	[sflag:s7] =	ssyncset.done $0x0  }
0xd: {  	[sflag:s7] =	ssyncadd.s32 $0xFFFFF000  }
0xe: {  	[tilespmem:s8], [sflag:$0x1] =	stream.indirect.gather [hbm4b:s3+s8], $0x1, s2, s8, $0xb8;
	[tilespmem:$0x2000] =	vst v63  }
0xf: {  	_ =	swait.ge [sflag:s9], $0x1000  }
0x10: {  	[sflag:s9] =	ssyncset.done $0x0  }
0x11: {  	s31 =	sadd.s32 $0x0, s5;
	[sflag:s9] =	ssyncadd.s32 $0xFFFFF000  }
0x12: {  	[hbm4b:s31+s2] =	stream.linear.scatter [tilespmem:s8], [sflag:$0x2], $0x1000, $0x38;
	[tilespmem:$0x2000] =	vst v63  }
0x13: {  	_ =	swait.ge [sflag:s7], $0x1000  }
0x14: {  	s12 =	simm.s32 $0x400;
	s11 =	simm.s32 $0x200;
	[sflag:s7] =	ssyncset.done $0x0  }
.LBB2_2:
0x15: {  	s13 =	sadd.s32 s11, s6  }
0x16: {  	[sflag:s7] =	ssyncadd.s32 $0xFFFFF000;
	s14 =	smov.u32 s12;
	s15 =	sadd.s32 $0x200, s12  }
0x17: {  	[tilespmem:s2], [sflag:$0x2] =	stream.linear.gather [hbm4b:s13+s2], $0x1000, $0x38;
	[tilespmem:$0x2000] =	vst v63  }
0x18: {  	p0 =	sne.s32 s12, $0x1E00;
	_ =	swait.ge [sflag:s7], $0x1000  }
0x19: {  	[sflag:s7] =	ssyncset.done $0x0  }
0x1a: {  	[sflag:s7] =	ssyncadd.s32 $0xFFFFF000  }
0x1b: {  	[tilespmem:s8], [sflag:$0x1] =	stream.indirect.gather [hbm4b:s3+s8], $0x1, s2, s8, $0xb8;
	[tilespmem:$0x2000] =	vst v63  }
0x1c: {  	_ =	swait.ge [sflag:s9], $0x1000  }
.Ltmp0:
0x1d: {  	[sflag:s9] =	ssyncset.done $0x0;
	(pc) =	sbr.rel @p0 .LBB2_2-.Ltmp0, $4  }
0x1e: {  	s12 =	sadd.s32 s11, s5;
	s11 =	smov.u32 s14;
	[sflag:s9] =	ssyncadd.s32 $0xFFFFF000  }
0x1f: {  	[hbm4b:s12+s2] =	stream.linear.scatter [tilespmem:s8], [sflag:$0x2], $0x1000, $0x38;
	[tilespmem:$0x2000] =	vst v63  }
0x20: {  	_ =	swait.ge [sflag:s7], $0x1000  }
0x21: {  	s12 =	smov.u32 s15;
	[sflag:s7] =	ssyncset.done $0x0  }
0x22: {  	s12 =	sadd.s32 s11, s6;
	[sflag:s7] =	ssyncadd.s32 $0xFFFFF000  }
0x23: {  	[tilespmem:s2], [sflag:$0x2] =	stream.linear.gather [hbm4b:s12+s2], $0x1000, $0x38;
	[tilespmem:$0x2000] =	vst v63  }
0x24: {  	_ =	swait.ge [sflag:s7], $0x1000  }
0x25: {  	[sflag:s7] =	ssyncset.done $0x0  }
0x26: {  	[sflag:s7] =	ssyncadd.s32 $0xFFFFF000  }
0x27: {  	[tilespmem:s8], [sflag:$0x1] =	stream.indirect.gather [hbm4b:s3+s8], $0x1, s2, s8, $0xb8;
	[tilespmem:$0x2000] =	vst v63  }
0x28: {  	s10 =	sadd.s32 $0x1, s10;
	_ =	swait.ge [sflag:s9], $0x1000  }
0x29: {  	p0 =	sne.s32 s10, s4;
	[sflag:s9] =	ssyncset.done $0x0  }
.Ltmp1:
0x2a: {  	s31 =	sadd.s32 s11, s5;
	[sflag:s9] =	ssyncadd.s32 $0xFFFFF000;
	(pc) =	sbr.rel @p0 .LBB2_1-.Ltmp1, $4  }
0x2b: {  	[hbm4b:s31+s2] =	stream.linear.scatter [tilespmem:s8], [sflag:$0x2], $0x1000, $0x38;
	[tilespmem:$0x2000] =	vst v63  }
0x2c: {  	_ =	swait.ge [sflag:s7], $0x1000  }
0x2d: {  	[sflag:s7] =	ssyncset.done $0x0  }
0x2e: {  	[sflag:s7] =	ssyncadd.s32 $0xFFFFF000  }
0x2f: {  	_ =	sfence.sel $0x180000  }
0x30: {  	[bflag:$0x0] =	sbarrier.arrive $0xFFFF  }
0x31: {  	p0 =	sne.s32 s1, $0x0;
	_ =	strace $0x9000004A  }
0x32: {  	s0 =	sadd.s32 @!p0 $0x100000, s0;
	[bflag:$0x2] =	sbarrier.arrive $0xFFFF  }
0x33: {  	[sflag:s0] =	ssyncadd.tile.s32 @!p0 $0x1;
	_ =	shalt  }
.Lfunc_end2:
_tile_overlayer_lowered:
.L_overlay_start_2:
0x34: {  	(tag) =	ssettag $0x2  }
0x35: {  	s0 =	rddreg [dreg:$0x0];
	s2 =	stileid.u32  }
0x36: {  	s1 =	rddreg [dreg:$0x1];
	p0 =	sne.s32 s2, $0x0  }
0x37: {  	s3 =	rddreg [dreg:$0x2];
	[bflag:$0x3] =	sbarrier.arrive $0xFFFF;
	s2 =	simm.s32 @!p0 $0x1C02  }
0x38: {  	[timem:s3], [sflag:s2] =	dma.local @!p0 [hbm:s0], s1  }
0x39: {  	s0 =	simm.s32 @!p0 $0x2  }
0x3a: {  	_ =	swait.ge @!p0 [sflag:s0], s1  }
0x3b: {  	s1 =	ssub.s32 @!p0 $0x0, s1;
	[sflag:s0] =	ssyncset.done @!p0 $0x0  }
0x3c: {  	[sflag:s0] =	ssyncadd.s32 @!p0 s1  }
0x3d: {  	[bflag:$0x3] =	sbarrier.arrive $0xFFFF  }
0x3e: {  	_ =	shalt  }

// kernel: kernel.15.cloned.1.call-start
scs
__scs_entry_jumppad:
0x0: {  	(pc) =	sbr.rel $0x88, $3  }
0x1: {  	(tag) =	ssettag $0x0;
	lr =	simm.s32 $0x1  }
0x2: {  	[smem:$0x3F8E] =	sst lr;
	_ =	strace $0xD0000000  }
0x3: {  	_ = 	snop  }
0x4: {  	_ = 	snop  }
0x5: {  	_ = 	snop  }
0x6: {  	_ = 	snop  }
0x7: {  	_ = 	snop  }
__scs_overlays_trampoline_lowered:
0x8: {  	[smem:$0x3F9D] =	sst s0  }
0x9: {  	[smem:$0x3F9E] =	sst s1  }
0xa: {  	[smem:$0x3F9F] =	sst s2  }
0xb: {  	[smem:$0x3FA0] =	sst s3  }
0xc: {  	[smem:$0x3FA1] =	sst s4  }
0xd: {  	[smem:$0x3FA2] =	sst s5  }
0xe: {  	[smem:$0x3FA3] =	sst s6  }
0xf: {  	[smem:$0x3FA4] =	sst s7  }
0x10: {  	[smem:$0x3FA5] =	sst s8  }
0x11: {  	[smem:$0x3FA6] =	sst s9;
	s0 =	simm.s32 @!p0 $0x0  }
0x12: {  	s1 =	sld [smem:$0x3F8C];
	s0 =	simm.s32 @p0 $0x1  }
0x13: {  	[smem:$0x3FA7] =	sst s0;
	s0 =	simm.s32 @!p1 $0x0  }
0x14: {  	s2 =	sld [smem:$0x3F8B];
	s0 =	simm.s32 @p1 $0x1  }
0x15: {  	[smem:$0x3FA8] =	sst s0;
	s0 =	simm.s32 @!p2 $0x0  }
0x16: {  	s3 =	sld [smem:$0x3FDB];
	s0 =	simm.s32 @p2 $0x1  }
0x17: {  	s4 =	simm.s32 $0x1BF5;
	[smem:$0x3FAA] =	sst s0  }
0x18: {  	s0 =	sld [smem:$0x3F8D];
	_ =	swait.ge [sflag:s4], $0x0  }
0x19: {  	s7 =	sld [smem:$0x3F8E]  }
0x1a: {  	s8 =	sadd.s32 $0xFFFFE003, lr  }
0x1b: {  	s9 =	sadd.s32 $0xFFFFFEF7, lr;
	s5 =	simm.s32 $0xFFFFFFFF;
	p2 =	slt.u32 s8, $0xFFFFF086  }
0x1c: {  	p1 =	slt.u32 s9, $0xF7A;
	s5 =	simm.s32 @!p2 $0x0  }
0x1d: {  	s5 =	simm.s32 @p1 $0x1;
	p0 =	seq.s32 s7, s2  }
0x1e: {  	s7 =	smul.u32 @!p0 $0xF7A, s2;
	p2 =	seq.s32 @!p0 s5, $0x0  }
0x1f: {  	s9 =	smul.u32 $0xF7A, s1;
	s8 =	simm.s32 @!p0 $0x1BF5;
	p2 =	por !p2, p0  }
0x20: {  	[sflag:s8] =	ssyncset.s32 @!p0 $0xFFFFF086;
	s6 =	sadd.s32 @!p0 s3, s7;
	s7 =	simm.s32 @!p0 $0x108  }
0x21: {  	s3 =	sadd.s32 s3, s9;
	s6 =	sadd.s32 @!p0 $0x88, s6;
	s7 =	simm.s32 @p2 $0x1082  }
0x22: {  	[simem:s7], [sflag:s8] =	dma.local @!p0 [hbm:s6], $0xF7A  }
0x23: {  	s9 =	sor.u32 $0xD0000000, s2;
	s6 =	simm.s32 $0x108;
	_ =	swait.ge @!p0 [sflag:s8], $0x0  }
0x24: {  	s3 =	sadd.s32 $0x88, s3;
	s6 =	simm.s32 @!p1 $0x1082;
	[sflag:s4] =	ssyncset.s32 $0xFFFFF086  }
0x25: {  	[simem:s6], [sflag:s4] =	dma.local [hbm:s3], $0xF7A  }
0x26: {  	[smem:$0x3F8E] =	sst s1;
	(tag) =	ssettag s2;
	_ =	strace s9  }
0x27: {  	s1 =	sld [smem:$0x3F9E]  }
0x28: {  	s2 =	sld [smem:$0x3F9F]  }
0x29: {  	s4 =	sld [smem:$0x3FA1]  }
0x2a: {  	p0 =	seq.s32 s5, $0x0;
	s5 =	sld [smem:$0x3FA2]  }
0x2b: {  	s6 =	sld [smem:$0x3FA3]  }
0x2c: {  	s7 =	sld [smem:$0x3FA4]  }
0x2d: {  	s3 =	simm.s32 $0x108;
	s8 =	sld [smem:$0x3FA5]  }
0x2e: {  	s3 =	simm.s32 @!p0 $0x1082;
	s9 =	sld [smem:$0x3FA6]  }
0x2f: {  	lr =	sadd.s32 s0, s3;
	s0 =	sld [smem:$0x3F9D]  }
0x30: {  	s3 =	sld [smem:$0x3FA0]  }
0x31: {  	[smem:$0x3FA9] =	sst s10  }
0x32: {  	s10 =	sld [smem:$0x3FA7];
	_ =	sdelay $0x3  }
0x33: {  	p0 =	seq.s32 s10, $0x1;
	s10 =	sld [smem:$0x3FA9];
	_ =	sdelay $0x3  }
0x34: {  	[smem:$0x3FA9] =	sst s10  }
0x35: {  	s10 =	sld [smem:$0x3FA8];
	_ =	sdelay $0x3  }
0x36: {  	p1 =	seq.s32 s10, $0x1;
	s10 =	sld [smem:$0x3FA9];
	_ =	sdelay $0x3  }
0x37: {  	[smem:$0x3FA9] =	sst s10  }
0x38: {  	s10 =	sld [smem:$0x3FAA]  }
0x39: {  	_ = 	snop;
	(pc) =	sbr.ind lr, $3  }
0x3a: {  	_ = 	snop  }
0x3b: {  	_ = 	snop  }
0x3c: {  	p2 =	seq.s32 s10, $0x1;
	s10 =	sld [smem:$0x3FA9]  }
0x3d: {  	_ =	shalt  }
0x3e: {  	_ =	shalt  }
0x3f: {  	_ =	shalt  }
0x40: {  	_ =	shalt  }
0x41: {  	_ =	shalt  }
0x42: {  	_ =	shalt  }
0x43: {  	_ =	shalt  }
0x44: {  	_ =	shalt  }
0x45: {  	_ =	shalt  }
0x46: {  	_ =	shalt  }
0x47: {  	_ =	shalt  }
0x48: {  	_ =	shalt  }
0x49: {  	_ =	shalt  }
0x4a: {  	_ =	shalt  }
0x4b: {  	_ =	shalt  }
0x4c: {  	_ =	shalt  }
0x4d: {  	_ =	shalt  }
0x4e: {  	_ =	shalt  }
0x4f: {  	_ =	shalt  }
0x50: {  	_ =	shalt  }
0x51: {  	_ =	shalt  }
0x52: {  	_ =	shalt  }
0x53: {  	_ =	shalt  }
0x54: {  	_ =	shalt  }
0x55: {  	_ =	shalt  }
0x56: {  	_ =	shalt  }
0x57: {  	_ =	shalt  }
0x58: {  	_ =	shalt  }
0x59: {  	_ =	shalt  }
0x5a: {  	_ =	shalt  }
0x5b: {  	_ =	shalt  }
0x5c: {  	_ =	shalt  }
0x5d: {  	_ =	shalt  }
0x5e: {  	_ =	shalt  }
0x5f: {  	_ =	shalt  }
0x60: {  	_ =	shalt  }
0x61: {  	_ =	shalt  }
0x62: {  	_ =	shalt  }
0x63: {  	_ =	shalt  }
0x64: {  	_ =	shalt  }
0x65: {  	_ =	shalt  }
0x66: {  	_ =	shalt  }
0x67: {  	_ =	shalt  }
0x68: {  	_ =	shalt  }
0x69: {  	_ =	shalt  }
0x6a: {  	_ =	shalt  }
0x6b: {  	_ =	shalt  }
0x6c: {  	_ =	shalt  }
0x6d: {  	_ =	shalt  }
0x6e: {  	_ =	shalt  }
0x6f: {  	_ =	shalt  }
0x70: {  	_ =	shalt  }
0x71: {  	_ =	shalt  }
0x72: {  	_ =	shalt  }
0x73: {  	_ =	shalt  }
0x74: {  	_ =	shalt  }
0x75: {  	_ =	shalt  }
0x76: {  	_ =	shalt  }
0x77: {  	_ =	shalt  }
0x78: {  	_ =	shalt  }
0x79: {  	_ =	shalt  }
0x7a: {  	_ =	shalt  }
0x7b: {  	_ =	shalt  }
0x7c: {  	_ =	shalt  }
0x7d: {  	_ =	shalt  }
0x7e: {  	_ =	shalt  }
0x7f: {  	_ =	shalt  }
0x80: {  	_ =	shalt  }
0x81: {  	_ =	shalt  }
0x82: {  	_ =	shalt  }
0x83: {  	_ =	shalt  }
0x84: {  	_ =	shalt  }
0x85: {  	_ =	shalt  }
0x86: {  	_ =	shalt  }
0x87: {  	_ =	shalt  }
.Lfunc_end0:
.L_simem_size_0:
called_computation.2_lowered:
.L_overlay_start_0:
0x88: {  	s2 =	sld [smem:$0x3FD9]  }
0x89: {  	s3 =	sld [smem:$0x3FFE];
	_ =	sdelay $0x1  }
0x8a: {  	s1 =	srdreg.scid  }
0x8b: {  	s0 =	sand.u32 $0x1, s1  }
0x8c: {  	s16 =	sshll.u32 s0, $0xA;
	s2 =	sadd.s32 s3, s2  }
0x8d: {  	s2 =	sadd.s32 s2, s16  }
0x8e: {  	[smem:$0x3FB5] =	sst s2  }
0x8f: {  	_ = 	snop  }
0x90: {  	(tm) =	ssettm $0x1  }
0x91: {  	s17 =	sld [smem:$0x3FFB];
	_ =	sdelay $0x3  }
0x92: {  	_ =	strace s17  }
0x93: {  	s2 =	sld [smem:$0x3FFC];
	_ =	sdelay $0x3  }
0x94: {  	_ =	strace s2  }
0x95: {  	s2 =	sld [smem:$0x3FFD];
	_ =	sdelay $0x3  }
0x96: {  	_ =	strace s2  }
0x97: {  	_ =	strace $0x8FFFFFFF  }
0x98: {  	s18 =	sld [smem:$0x3FDB];
	_ =	sdelay $0x1  }
0x99: {  	s19 =	simm.s32 $_scs_section_size  }
0x9a: {  	s4 =	simm.s32 $_size__tile_overlayer_lowered;
	s5 =	simm.s32 $_tile_overlayer_lowered  }
0x9b: {  	s22 =	simm.s32 $0x1BFF;
	s21 =	sshll.u32 s5, $0x1;
	s2 =	sadd.s32 s19, s18  }
0x9c: {  	s6 =	simm.s32 $0x0;
	s20 =	sshll.u32 s4, $0x1;
	s4 =	sadd.s32 s21, s2  }
0x9d: {  	[timem:s6], [sflag:s22] =	dma.local [hbm:s4], s20  }
0x9e: {  	_ =	swait.ge [sflag:s22], s20  }
0x9f: {  	s3 =	ssub.s32 $0x0, s20;
	[sflag:s22] =	ssyncset.done $0x0  }
0xa0: {  	[sflag:s22] =	ssyncadd.s32 s3;
	_ =	sdelay $0x1  }
0xa1: {  	s23 =	simm.s32 $0x1B8B  }
0xa2: {  	_ =	swait.ge [sflag:s23], $0x1  }
0xa3: {  	[sflag:s23] =	ssyncset.done $0x0  }
0xa4: {  	s25 =	simm.s32 $0x1B8E;
	s24 =	sld [smem:$0x3FFE];
	[sflag:s23] =	ssyncadd.s32 $0xFFFFFFFF  }
0xa5: {  	s26 =	simm.s32 $execute0_lowered;
	[smem:$0x3FD2] =	sst s25  }
0xa6: {  	s4 =	sshll.u32 s26, $0x1;
	_ =	strace $0x8000004C;
	[dreg:$0x1] =	wrdreg $0xFFFFFFFF  }
0xa7: {  	s28 =	simm.s32 $_size_execute0_lowered;
	s2 =	sadd.s32 s2, s4;
	[dreg:$0x0] =	wrdreg $0x0  }
0xa8: {  	s4 =	sshll.u32 s28, $0x1;
	[dreg:$0x2] =	wrdreg s2  }
0xa9: {  	[dreg:$0x3] =	wrdreg s4  }
0xaa: {  	[dreg:$0x4] =	wrdreg $0xC0  }
0xab: {  	_ =	task [dreg:s6], $0x5FFFF  }
0xac: {  	[dreg:$0x1] =	wrdreg $0xFFFFFFFF  }
0xad: {  	[dreg:$0x0] =	wrdreg $0x60  }
0xae: {  	[dreg:$0x2] =	wrdreg s24  }
0xaf: {  	[dreg:$0x3] =	wrdreg $0x9  }
0xb0: {  	_ =	task.clear_ibuf [dreg:s6], $0x4FFFF;
	_ =	strace $0x9000004C  }
0xb1: {  	s29 =	simm.s32 $0x9;
	_ =	strace $0x8000004E  }
0xb2: {  	_ =	swait.ge [sflag:s29], $0x1  }
0xb3: {  	[sflag:s29] =	ssyncadd.s32 $0xFFFFFFFF  }
0xb4: {  	_ =	strace $0x9000004E  }
0xb5: {  	_ =	sfence  }
0xb6: {  	s30 =	sld [smem:$0x0];
	_ =	sdelay $0x2  }
0xb7: {  	s31 =	sshll.u32 s1, $0xD;
	s1 =	sshrl.u32 s1, $0x2  }
0xb8: {  	s3 =	sand.u32 $0x4000, s31;
	s1 =	sadd.s32 s1, s30  }
0xb9: {  	s0 =	sor.u32 s3, s0;
	s1 =	sshll.u32 s1, $0x11  }
0xba: {  	s0 =	sor.u32 s1, s0  }
0xbb: {  	s0 =	sadd.s32 $0x8F2B, s0  }
0xbc: {  	[sflag:s0] =	ssyncadd.remote.s32 $0x1  }
0xbd: {  	_ =	sfence.sel $0xFFFF  }
0xbe: {  	[dreg:$0x0] =	wrdreg $0xFFFFFFFF;
	(pc) =	sbr.abs _section_cstart, $3  }
0xbf: {  	[dreg:$0x1] =	wrdreg $0xFFFFFFFF  }
0xc0: {  	_ =	task.clear_ibuf [dreg:s6], $0x2FFFF;
	_ =	strace $0x9FFFFFFF  }
0xc1: {  	(tm) =	ssettm $0x7FFFFFFF  }
tec
execute0_lowered:
.L_overlay_start_1:
0x0: {  	(tag) =	ssettag $0x1  }
0x1: {  	s5 =	rddreg [dreg:$0x0]  }
0x2: {  	s2 =	srdreg.scid;
	s0 =	rddreg [dreg:$0x1]  }
0x3: {  	s1 =	stileid.u32;
	s11 =	simm.s32 $0x2200;
	s12 =	simm.s32 $0x1  }
0x4: {  	s13 =	simm.s32 $0x2;
	s14 =	simm.s32 $0x0;
	s6 =	sand.u32 $0x1, s2  }
0x5: {  	s2 =	simm.s32 $0x0;
	s3 =	sshll.u32 s1, $0xD;
	s29 =	sshll.u32 s1, $0xE  }
0x6: {  	s9 =	sshll.u32 s1, $0x11;
	s4 =	sshll.u32 s6, $0xC;
	[smem:$0x7FF] =	sst s2  }
0x7: {  	s10 =	ssub.s32 $0x2, s6;
	s9 =	sadd.s32 s9, s5;
	s31 =	sshll.u32 s6, $0x10  }
0x8: {  	s6 =	sshll.u32 s6, $0xD;
	s3 =	sor.u32 s4, s3;
	_ =	strace $0x8000004D  }
0x9: {  	s4 =	sadd.s32 $0x18BC00, s5;
	s30 =	sshrl.u32 s10, $0x1;
	s7 =	sshrl.u32 s3, $0x3  }
0xa: {  	s9 =	sadd.s32 s31, s9;
	s3 =	sadd.s32 $0x4800, s5;
	s8 =	sadd.s32 s7, s5  }
0xb: {  	s7 =	sadd.s32 s29, s5;
	s5 =	ssub.s32 s10, s30;
	s10 =	simm.s32 $0x200  }
0xc: {  	s5 =	smax.u32 s5, $0x1;
	s7 =	sadd.s32 s6, s7;
	s6 =	sadd.s32 $0x24F200, s9  }
0xd: {  	s8 =	sadd.s32 $0x3D800, s8;
	s9 =	simm.s32 $0x3;
	s7 =	sadd.s32 $0x41800, s7  }
.LBB2_1:
0xe: {  	s15 =	sadd.s32 $0x0, s8  }
0xf: {  	[tilespmem:s2], [sflag:$0x3] =	stream.linear.gather [hbm4b:s15+s2], $0x200, $0x38;
	[tilespmem:$0x12200] =	vst v63  }
0x10: {  	_ =	swait.ge [sflag:s9], $0x200  }
0x11: {  	[sflag:s9] =	ssyncset.done $0x0  }
0x12: {  	[sflag:s9] =	ssyncadd.s32 $0xFFFFFE00  }
0x13: {  	[tilespmem:s10], [sflag:$0x1] =	stream.indirect.gather [hbm4b:s3+s10], $0x10, s2, s10, $0xb8;
	[tilespmem:$0x12200] =	vst v63  }
0x14: {  	_ = 	snop  }
0x15: {  	[tilespmem:s11], [sflag:$0x2] =	stream.indirect.gather [hbm4b:s4+s10], $0x80, s2, s10, $0xb8;
	[tilespmem:$0x12200] =	vst v63  }
0x16: {  	_ =	swait.ge [sflag:s12], $0x2000  }
0x17: {  	[sflag:s12] =	ssyncset.done $0x0  }
0x18: {  	[sflag:s12] =	ssyncadd.s32 $0xFFFFE000  }
0x19: {  	[hbm4b:s7+s2] =	stream.linear.scatter [tilespmem:s10], [sflag:$0x3], $0x2000, $0x38;
	[tilespmem:$0x12200] =	vst v63  }
0x1a: {  	_ =	swait.ge [sflag:s9], $0x2000  }
0x1b: {  	[sflag:s9] =	ssyncset.done $0x0  }
0x1c: {  	[sflag:s9] =	ssyncadd.s32 $0xFFFFE000  }
0x1d: {  	_ =	swait.ge [sflag:s13], $0x10000  }
0x1e: {  	[sflag:s13] =	ssyncset.done $0x0  }
0x1f: {  	[sflag:s13] =	ssyncadd.s32 $0xFFFF0000  }
0x20: {  	[hbm4b:s6+s2] =	stream.linear.scatter [tilespmem:s11], [sflag:$0x3], $0x10000, $0x38;
	[tilespmem:$0x12200] =	vst v63  }
0x21: {  	s17 =	simm.s32 $0x40;
	s18 =	simm.s32 $0x80;
	_ =	swait.ge [sflag:s9], $0x10000  }
0x22: {  	s16 =	sadd.s32 $0x400, s7;
	s15 =	sadd.s32 $0x2000, s6;
	[sflag:s9] =	ssyncset.done $0x0  }
.LBB2_2:
0x23: {  	s19 =	sadd.s32 s17, s8  }
0x24: {  	[sflag:s9] =	ssyncadd.s32 $0xFFFF0000;
	s17 =	smov.u32 s18;
	s20 =	sadd.s32 $0x40, s18  }
0x25: {  	[tilespmem:s2], [sflag:$0x3] =	stream.linear.gather [hbm4b:s19+s2], $0x200, $0x38;
	[tilespmem:$0x12200] =	vst v63  }
0x26: {  	p0 =	sne.s32 s18, $0x1C0;
	_ =	swait.ge [sflag:s9], $0x200  }
0x27: {  	[sflag:s9] =	ssyncset.done $0x0  }
0x28: {  	[sflag:s9] =	ssyncadd.s32 $0xFFFFFE00  }
0x29: {  	[tilespmem:s10], [sflag:$0x1] =	stream.indirect.gather [hbm4b:s3+s10], $0x10, s2, s10, $0xb8;
	[tilespmem:$0x12200] =	vst v63  }
0x2a: {  	_ = 	snop  }
0x2b: {  	[tilespmem:s11], [sflag:$0x2] =	stream.indirect.gather [hbm4b:s4+s10], $0x80, s2, s10, $0xb8;
	[tilespmem:$0x12200] =	vst v63  }
0x2c: {  	_ =	swait.ge [sflag:s12], $0x2000  }
0x2d: {  	[sflag:s12] =	ssyncset.done $0x0  }
0x2e: {  	[sflag:s12] =	ssyncadd.s32 $0xFFFFE000  }
0x2f: {  	[hbm4b:s16+s2] =	stream.linear.scatter [tilespmem:s10], [sflag:$0x3], $0x2000, $0x38;
	[tilespmem:$0x12200] =	vst v63  }
0x30: {  	_ =	swait.ge [sflag:s9], $0x2000  }
0x31: {  	[sflag:s9] =	ssyncset.done $0x0  }
0x32: {  	[sflag:s9] =	ssyncadd.s32 $0xFFFFE000  }
0x33: {  	_ =	swait.ge [sflag:s13], $0x10000  }
.Ltmp0:
0x34: {  	[sflag:s13] =	ssyncset.done $0x0;
	(pc) =	sbr.rel @p0 .LBB2_2-.Ltmp0, $4  }
0x35: {  	[sflag:s13] =	ssyncadd.s32 $0xFFFF0000  }
0x36: {  	[hbm4b:s15+s2] =	stream.linear.scatter [tilespmem:s11], [sflag:$0x3], $0x10000, $0x38;
	[tilespmem:$0x12200] =	vst v63  }
0x37: {  	s18 =	smov.u32 s20;
	_ =	swait.ge [sflag:s9], $0x10000  }
0x38: {  	s16 =	sadd.s32 $0x400, s16;
	s15 =	sadd.s32 $0x2000, s15;
	[sflag:s9] =	ssyncset.done $0x0  }
0x39: {  	s17 =	sadd.s32 s17, s8;
	[sflag:s9] =	ssyncadd.s32 $0xFFFF0000  }
0x3a: {  	[tilespmem:s2], [sflag:$0x3] =	stream.linear.gather [hbm4b:s17+s2], $0x200, $0x38;
	[tilespmem:$0x12200] =	vst v63  }
0x3b: {  	_ =	swait.ge [sflag:s9], $0x200  }
0x3c: {  	[sflag:s9] =	ssyncset.done $0x0  }
0x3d: {  	[sflag:s9] =	ssyncadd.s32 $0xFFFFFE00  }
0x3e: {  	[tilespmem:s10], [sflag:$0x1] =	stream.indirect.gather [hbm4b:s3+s10], $0x10, s2, s10, $0xb8;
	[tilespmem:$0x12200] =	vst v63  }
0x3f: {  	_ = 	snop  }
0x40: {  	[tilespmem:s11], [sflag:$0x2] =	stream.indirect.gather [hbm4b:s4+s10], $0x80, s2, s10, $0xb8;
	[tilespmem:$0x12200] =	vst v63  }
0x41: {  	_ =	swait.ge [sflag:s12], $0x2000  }
0x42: {  	[sflag:s12] =	ssyncset.done $0x0  }
0x43: {  	[sflag:s12] =	ssyncadd.s32 $0xFFFFE000  }
0x44: {  	[hbm4b:s16+s2] =	stream.linear.scatter [tilespmem:s10], [sflag:$0x3], $0x2000, $0x38;
	[tilespmem:$0x12200] =	vst v63  }
0x45: {  	_ =	swait.ge [sflag:s9], $0x2000  }
0x46: {  	[sflag:s9] =	ssyncset.done $0x0  }
0x47: {  	[sflag:s9] =	ssyncadd.s32 $0xFFFFE000  }
0x48: {  	s14 =	sadd.s32 $0x1, s14;
	_ =	swait.ge [sflag:s13], $0x10000  }
0x49: {  	p0 =	sne.s32 s14, s5;
	[sflag:s13] =	ssyncset.done $0x0  }
.Ltmp1:
0x4a: {  	[sflag:s13] =	ssyncadd.s32 $0xFFFF0000;
	(pc) =	sbr.rel @p0 .LBB2_1-.Ltmp1, $4  }
0x4b: {  	[hbm4b:s15+s2] =	stream.linear.scatter [tilespmem:s11], [sflag:$0x3], $0x10000, $0x38;
	[tilespmem:$0x12200] =	vst v63  }
0x4c: {  	_ =	swait.ge [sflag:s9], $0x10000  }
0x4d: {  	[sflag:s9] =	ssyncset.done $0x0  }
0x4e: {  	[sflag:s9] =	ssyncadd.s32 $0xFFFF0000  }
0x4f: {  	_ =	sfence.sel $0x180000  }
0x50: {  	[bflag:$0x0] =	sbarrier.arrive $0xFFFF  }
0x51: {  	p0 =	sne.s32 s1, $0x0;
	_ =	strace $0x9000004D  }
0x52: {  	s0 =	sadd.s32 @!p0 $0x100000, s0;
	[bflag:$0x2] =	sbarrier.arrive $0xFFFF  }
0x53: {  	[sflag:s0] =	ssyncadd.tile.s32 @!p0 $0x1;
	_ =	shalt  }
.Lfunc_end2:
_tile_overlayer_lowered:
.L_overlay_start_2:
0x54: {  	(tag) =	ssettag $0x2  }
0x55: {  	s0 =	rddreg [dreg:$0x0];
	s2 =	stileid.u32  }
0x56: {  	s1 =	rddreg [dreg:$0x1];
	p0 =	sne.s32 s2, $0x0  }
0x57: {  	s3 =	rddreg [dreg:$0x2];
	[bflag:$0x3] =	sbarrier.arrive $0xFFFF;
	s2 =	simm.s32 @!p0 $0x1C03  }
0x58: {  	[timem:s3], [sflag:s2] =	dma.local @!p0 [hbm:s0], s1  }
0x59: {  	s0 =	simm.s32 @!p0 $0x3  }
0x5a: {  	_ =	swait.ge @!p0 [sflag:s0], s1  }
0x5b: {  	s1 =	ssub.s32 @!p0 $0x0, s1;
	[sflag:s0] =	ssyncset.done @!p0 $0x0  }
0x5c: {  	[sflag:s0] =	ssyncadd.s32 @!p0 s1  }
0x5d: {  	[bflag:$0x3] =	sbarrier.arrive $0xFFFF  }
0x5e: {  	_ =	shalt  }

// kernel: kernel.9.cloned.1.call-start
scs
__scs_entry_jumppad:
0x0: {  	(pc) =	sbr.rel $0x88, $3  }
0x1: {  	(tag) =	ssettag $0x0;
	lr =	simm.s32 $0x1  }
0x2: {  	[smem:$0x3F8E] =	sst lr;
	_ =	strace $0xD0000000  }
0x3: {  	_ = 	snop  }
0x4: {  	_ = 	snop  }
0x5: {  	_ = 	snop  }
0x6: {  	_ = 	snop  }
0x7: {  	_ = 	snop  }
__scs_overlays_trampoline_lowered:
0x8: {  	[smem:$0x3F9D] =	sst s0  }
0x9: {  	[smem:$0x3F9E] =	sst s1  }
0xa: {  	[smem:$0x3F9F] =	sst s2  }
0xb: {  	[smem:$0x3FA0] =	sst s3  }
0xc: {  	[smem:$0x3FA1] =	sst s4  }
0xd: {  	[smem:$0x3FA2] =	sst s5  }
0xe: {  	[smem:$0x3FA3] =	sst s6  }
0xf: {  	[smem:$0x3FA4] =	sst s7  }
0x10: {  	[smem:$0x3FA5] =	sst s8  }
0x11: {  	[smem:$0x3FA6] =	sst s9;
	s0 =	simm.s32 @!p0 $0x0  }
0x12: {  	s1 =	sld [smem:$0x3F8C];
	s0 =	simm.s32 @p0 $0x1  }
0x13: {  	[smem:$0x3FA7] =	sst s0;
	s0 =	simm.s32 @!p1 $0x0  }
0x14: {  	s2 =	sld [smem:$0x3F8B];
	s0 =	simm.s32 @p1 $0x1  }
0x15: {  	[smem:$0x3FA8] =	sst s0;
	s0 =	simm.s32 @!p2 $0x0  }
0x16: {  	s3 =	sld [smem:$0x3FDB];
	s0 =	simm.s32 @p2 $0x1  }
0x17: {  	s4 =	simm.s32 $0x1BF5;
	[smem:$0x3FAA] =	sst s0  }
0x18: {  	s0 =	sld [smem:$0x3F8D];
	_ =	swait.ge [sflag:s4], $0x0  }
0x19: {  	s7 =	sld [smem:$0x3F8E]  }
0x1a: {  	s8 =	sadd.s32 $0xFFFFE003, lr  }
0x1b: {  	s9 =	sadd.s32 $0xFFFFFEF7, lr;
	s5 =	simm.s32 $0xFFFFFFFF;
	p2 =	slt.u32 s8, $0xFFFFF086  }
0x1c: {  	p1 =	slt.u32 s9, $0xF7A;
	s5 =	simm.s32 @!p2 $0x0  }
0x1d: {  	s5 =	simm.s32 @p1 $0x1;
	p0 =	seq.s32 s7, s2  }
0x1e: {  	s7 =	smul.u32 @!p0 $0xF7A, s2;
	p2 =	seq.s32 @!p0 s5, $0x0  }
0x1f: {  	s9 =	smul.u32 $0xF7A, s1;
	s8 =	simm.s32 @!p0 $0x1BF5;
	p2 =	por !p2, p0  }
0x20: {  	[sflag:s8] =	ssyncset.s32 @!p0 $0xFFFFF086;
	s6 =	sadd.s32 @!p0 s3, s7;
	s7 =	simm.s32 @!p0 $0x108  }
0x21: {  	s3 =	sadd.s32 s3, s9;
	s6 =	sadd.s32 @!p0 $0x88, s6;
	s7 =	simm.s32 @p2 $0x1082  }
0x22: {  	[simem:s7], [sflag:s8] =	dma.local @!p0 [hbm:s6], $0xF7A  }
0x23: {  	s9 =	sor.u32 $0xD0000000, s2;
	s6 =	simm.s32 $0x108;
	_ =	swait.ge @!p0 [sflag:s8], $0x0  }
0x24: {  	s3 =	sadd.s32 $0x88, s3;
	s6 =	simm.s32 @!p1 $0x1082;
	[sflag:s4] =	ssyncset.s32 $0xFFFFF086  }
0x25: {  	[simem:s6], [sflag:s4] =	dma.local [hbm:s3], $0xF7A  }
0x26: {  	[smem:$0x3F8E] =	sst s1;
	(tag) =	ssettag s2;
	_ =	strace s9  }
0x27: {  	s1 =	sld [smem:$0x3F9E]  }
0x28: {  	s2 =	sld [smem:$0x3F9F]  }
0x29: {  	s4 =	sld [smem:$0x3FA1]  }
0x2a: {  	p0 =	seq.s32 s5, $0x0;
	s5 =	sld [smem:$0x3FA2]  }
0x2b: {  	s6 =	sld [smem:$0x3FA3]  }
0x2c: {  	s7 =	sld [smem:$0x3FA4]  }
0x2d: {  	s3 =	simm.s32 $0x108;
	s8 =	sld [smem:$0x3FA5]  }
0x2e: {  	s3 =	simm.s32 @!p0 $0x1082;
	s9 =	sld [smem:$0x3FA6]  }
0x2f: {  	lr =	sadd.s32 s0, s3;
	s0 =	sld [smem:$0x3F9D]  }
0x30: {  	s3 =	sld [smem:$0x3FA0]  }
0x31: {  	[smem:$0x3FA9] =	sst s10  }
0x32: {  	s10 =	sld [smem:$0x3FA7];
	_ =	sdelay $0x3  }
0x33: {  	p0 =	seq.s32 s10, $0x1;
	s10 =	sld [smem:$0x3FA9];
	_ =	sdelay $0x3  }
0x34: {  	[smem:$0x3FA9] =	sst s10  }
0x35: {  	s10 =	sld [smem:$0x3FA8];
	_ =	sdelay $0x3  }
0x36: {  	p1 =	seq.s32 s10, $0x1;
	s10 =	sld [smem:$0x3FA9];
	_ =	sdelay $0x3  }
0x37: {  	[smem:$0x3FA9] =	sst s10  }
0x38: {  	s10 =	sld [smem:$0x3FAA]  }
0x39: {  	_ = 	snop;
	(pc) =	sbr.ind lr, $3  }
0x3a: {  	_ = 	snop  }
0x3b: {  	_ = 	snop  }
0x3c: {  	p2 =	seq.s32 s10, $0x1;
	s10 =	sld [smem:$0x3FA9]  }
0x3d: {  	_ =	shalt  }
0x3e: {  	_ =	shalt  }
0x3f: {  	_ =	shalt  }
0x40: {  	_ =	shalt  }
0x41: {  	_ =	shalt  }
0x42: {  	_ =	shalt  }
0x43: {  	_ =	shalt  }
0x44: {  	_ =	shalt  }
0x45: {  	_ =	shalt  }
0x46: {  	_ =	shalt  }
0x47: {  	_ =	shalt  }
0x48: {  	_ =	shalt  }
0x49: {  	_ =	shalt  }
0x4a: {  	_ =	shalt  }
0x4b: {  	_ =	shalt  }
0x4c: {  	_ =	shalt  }
0x4d: {  	_ =	shalt  }
0x4e: {  	_ =	shalt  }
0x4f: {  	_ =	shalt  }
0x50: {  	_ =	shalt  }
0x51: {  	_ =	shalt  }
0x52: {  	_ =	shalt  }
0x53: {  	_ =	shalt  }
0x54: {  	_ =	shalt  }
0x55: {  	_ =	shalt  }
0x56: {  	_ =	shalt  }
0x57: {  	_ =	shalt  }
0x58: {  	_ =	shalt  }
0x59: {  	_ =	shalt  }
0x5a: {  	_ =	shalt  }
0x5b: {  	_ =	shalt  }
0x5c: {  	_ =	shalt  }
0x5d: {  	_ =	shalt  }
0x5e: {  	_ =	shalt  }
0x5f: {  	_ =	shalt  }
0x60: {  	_ =	shalt  }
0x61: {  	_ =	shalt  }
0x62: {  	_ =	shalt  }
0x63: {  	_ =	shalt  }
0x64: {  	_ =	shalt  }
0x65: {  	_ =	shalt  }
0x66: {  	_ =	shalt  }
0x67: {  	_ =	shalt  }
0x68: {  	_ =	shalt  }
0x69: {  	_ =	shalt  }
0x6a: {  	_ =	shalt  }
0x6b: {  	_ =	shalt  }
0x6c: {  	_ =	shalt  }
0x6d: {  	_ =	shalt  }
0x6e: {  	_ =	shalt  }
0x6f: {  	_ =	shalt  }
0x70: {  	_ =	shalt  }
0x71: {  	_ =	shalt  }
0x72: {  	_ =	shalt  }
0x73: {  	_ =	shalt  }
0x74: {  	_ =	shalt  }
0x75: {  	_ =	shalt  }
0x76: {  	_ =	shalt  }
0x77: {  	_ =	shalt  }
0x78: {  	_ =	shalt  }
0x79: {  	_ =	shalt  }
0x7a: {  	_ =	shalt  }
0x7b: {  	_ =	shalt  }
0x7c: {  	_ =	shalt  }
0x7d: {  	_ =	shalt  }
0x7e: {  	_ =	shalt  }
0x7f: {  	_ =	shalt  }
0x80: {  	_ =	shalt  }
0x81: {  	_ =	shalt  }
0x82: {  	_ =	shalt  }
0x83: {  	_ =	shalt  }
0x84: {  	_ =	shalt  }
0x85: {  	_ =	shalt  }
0x86: {  	_ =	shalt  }
0x87: {  	_ =	shalt  }
.Lfunc_end0:
.L_simem_size_0:
called_computation_lowered:
.L_overlay_start_0:
0x88: {  	s2 =	sld [smem:$0x3FD9]  }
0x89: {  	s3 =	sld [smem:$0x3FFE];
	_ =	sdelay $0x1  }
0x8a: {  	s1 =	srdreg.scid  }
0x8b: {  	s0 =	sand.u32 $0x1, s1  }
0x8c: {  	s17 =	sshll.u32 s0, $0xA;
	s2 =	sadd.s32 s3, s2  }
0x8d: {  	s2 =	sadd.s32 s2, s17  }
0x8e: {  	[smem:$0x3FB5] =	sst s2  }
0x8f: {  	_ = 	snop  }
0x90: {  	s2 =	sld [smem:$0x3FC9]  }
0x91: {  	s18 =	sld [smem:$0x3FC7]  }
0x92: {  	s4 =	sld [smem:$0x3FD0];
	(tm) =	ssettm $0x1  }
0x93: {  	s5 =	sld [smem:$0x3FFB];
	_ =	sdelay $0x3  }
0x94: {  	_ =	strace s5  }
0x95: {  	s5 =	sld [smem:$0x3FFC];
	_ =	sdelay $0x3  }
0x96: {  	_ =	strace s5  }
0x97: {  	s5 =	sld [smem:$0x3FFD];
	_ =	sdelay $0x3  }
0x98: {  	_ =	strace s5  }
0x99: {  	_ =	strace $0x8FFFFFFF  }
0x9a: {  	s19 =	sld [smem:$0x3FDB];
	_ =	sdelay $0x1  }
0x9b: {  	s6 =	simm.s32 $_scs_section_size  }
0x9c: {  	s7 =	simm.s32 $_size__tile_overlayer_lowered;
	s8 =	simm.s32 $_tile_overlayer_lowered  }
0x9d: {  	s22 =	simm.s32 $0x1BFF;
	s21 =	sshll.u32 s8, $0x1;
	s5 =	sadd.s32 s6, s19  }
0x9e: {  	s9 =	simm.s32 $0x0;
	s20 =	sshll.u32 s7, $0x1;
	s7 =	sadd.s32 s21, s5  }
0x9f: {  	[timem:s9], [sflag:s22] =	dma.local [hbm:s7], s20  }
0xa0: {  	_ =	swait.ge [sflag:s22], s20  }
0xa1: {  	s6 =	ssub.s32 $0x0, s20;
	[sflag:s22] =	ssyncset.done $0x0  }
0xa2: {  	[sflag:s22] =	ssyncadd.s32 s6;
	_ =	sdelay $0x1  }
0xa3: {  	s23 =	simm.s32 $0x1B8B  }
0xa4: {  	_ =	swait.ge [sflag:s23], $0x1  }
0xa5: {  	[sflag:s23] =	ssyncset.done $0x0  }
0xa6: {  	s25 =	simm.s32 $0x1B8E;
	s24 =	sld [smem:$0x3FFE];
	[sflag:s23] =	ssyncadd.s32 $0xFFFFFFFF  }
0xa7: {  	s26 =	simm.s32 $execute0_lowered;
	[smem:$0x3FD2] =	sst s25  }
0xa8: {  	s7 =	sshll.u32 s26, $0x1;
	_ =	strace $0x80000046;
	[dreg:$0x1] =	wrdreg $0xFFFFFFFF  }
0xa9: {  	s28 =	simm.s32 $_size_execute0_lowered;
	s5 =	sadd.s32 s5, s7;
	[dreg:$0x0] =	wrdreg $0x0  }
0xaa: {  	s7 =	sshll.u32 s28, $0x1;
	[dreg:$0x2] =	wrdreg s5  }
0xab: {  	[dreg:$0x3] =	wrdreg s7  }
0xac: {  	[dreg:$0x4] =	wrdreg $0xC0  }
0xad: {  	_ =	task [dreg:s9], $0x5FFFF  }
0xae: {  	[dreg:$0x1] =	wrdreg $0xFFFFFFFF  }
0xaf: {  	[dreg:$0x0] =	wrdreg $0x60  }
0xb0: {  	[dreg:$0x2] =	wrdreg s24  }
0xb1: {  	[dreg:$0x3] =	wrdreg s2  }
0xb2: {  	[dreg:$0x4] =	wrdreg s18  }
0xb3: {  	[dreg:$0x5] =	wrdreg s4  }
0xb4: {  	[dreg:$0x6] =	wrdreg $0x9  }
0xb5: {  	_ =	task.clear_ibuf [dreg:s9], $0x7FFFF;
	_ =	strace $0x90000046  }
0xb6: {  	s29 =	simm.s32 $0x9;
	_ =	strace $0x80000048  }
0xb7: {  	_ =	swait.ge [sflag:s29], $0x1  }
0xb8: {  	[sflag:s29] =	ssyncadd.s32 $0xFFFFFFFF  }
0xb9: {  	_ =	strace $0x90000048  }
0xba: {  	_ =	sfence  }
0xbb: {  	s30 =	sld [smem:$0x0];
	_ =	sdelay $0x2  }
0xbc: {  	s31 =	sshll.u32 s1, $0xD;
	s1 =	sshrl.u32 s1, $0x2  }
0xbd: {  	s3 =	sand.u32 $0x4000, s31;
	s1 =	sadd.s32 s1, s30  }
0xbe: {  	s0 =	sor.u32 s3, s0;
	s1 =	sshll.u32 s1, $0x11  }
0xbf: {  	s0 =	sor.u32 s1, s0  }
0xc0: {  	s0 =	sadd.s32 $0x8F2B, s0  }
0xc1: {  	[sflag:s0] =	ssyncadd.remote.s32 $0x1  }
0xc2: {  	_ =	sfence.sel $0xFFFF  }
0xc3: {  	[dreg:$0x0] =	wrdreg $0xFFFFFFFF;
	(pc) =	sbr.abs _section_cstart, $3  }
0xc4: {  	[dreg:$0x1] =	wrdreg $0xFFFFFFFF  }
0xc5: {  	_ =	task.clear_ibuf [dreg:s9], $0x2FFFF;
	_ =	strace $0x9FFFFFFF  }
0xc6: {  	(tm) =	ssettm $0x7FFFFFFF  }
0xc7: {  	_ =	shalt  }
tec
execute0_lowered:
.L_overlay_start_1:
0x0: {  	(tag) =	ssettag $0x1  }
0x1: {  	s12 =	rddreg [dreg:$0x0]  }
0x2: {  	s1 =	rddreg [dreg:$0x1];
	s2 =	srdreg.scid  }
0x3: {  	s4 =	rddreg [dreg:$0x2];
	s0 =	stileid.u32;
	s11 =	sand.u32 $0x1, s2  }
0x4: {  	s10 =	rddreg [dreg:$0x3];
	s5 =	sshll.u32 s0, $0x9;
	s6 =	sshll.u32 s11, $0x8  }
0x5: {  	s3 =	simm.s32 $0x0;
	s2 =	rddreg [dreg:$0x4];
	s13 =	sor.u32 s6, s5  }
0x6: {  	[smem:$0x7FF] =	sst s3;
	s5 =	sshrl.u32 s13, $0x3  }
0x7: {  	_ =	strace $0x80000047;
	s5 =	sadd.s32 s4, s5;
	s4 =	simm.s32 $0x3  }
0x8: {  	[tilespmem:s3], [sflag:$0x3] =	stream.linear.gather [hbm4b:s5+s3], $0x100, $0x38;
	[tilespmem:$0x9100] =	vst v63  }
0x9: {  	_ =	swait.ge [sflag:s4], $0x100  }
0xa: {  	[sflag:s4] =	ssyncset.done $0x0  }
0xb: {  	s7 =	simm.s32 $0x100;
	s6 =	sadd.s32 $0x4800, s12;
	[sflag:s4] =	ssyncadd.s32 $0xFFFFFF00  }
0xc: {  	[tilespmem:s7], [sflag:$0x1] =	stream.indirect.gather [hbm4b:s6+s7], $0x10, s3, s7, $0xb8;
	[tilespmem:$0x9100] =	vst v63  }
0xd: {  	s8 =	simm.s32 $0x1100;
	s9 =	simm.s32 $0x1  }
0xe: {  	[tilespmem:s8], [sflag:$0x2] =	stream.indirect.gather [hbm4b:s1+s7], $0x80, s3, s7, $0xb8;
	[tilespmem:$0x9100] =	vst v63  }
0xf: {  	_ =	swait.ge [sflag:s9], $0x1000  }
0x10: {  	s14 =	sshll.u32 s13, $0x1;
	[sflag:s9] =	ssyncset.done $0x0  }
0x11: {  	s30 =	ssub.s32 $0x2, s11;
	s10 =	sadd.s32 s10, s14;
	[sflag:s9] =	ssyncadd.s32 $0xFFFFF000  }
0x12: {  	[hbm4b:s10+s3] =	stream.linear.scatter [tilespmem:s7], [sflag:$0x3], $0x1000, $0x38;
	[tilespmem:$0x9100] =	vst v63  }
0x13: {  	s11 =	simm.s32 $0x2;
	s15 =	sshrl.u32 s30, $0x1;
	_ =	swait.ge [sflag:s4], $0x1000  }
0x14: {  	s13 =	sshll.u32 s13, $0x4;
	s31 =	ssub.s32 s30, s15;
	[sflag:s4] =	ssyncset.done $0x0  }
0x15: {  	s12 =	sadd.s32 s13, s12;
	s13 =	smax.u32 s31, $0x1;
	[sflag:s4] =	ssyncadd.s32 $0xFFFFF000  }
0x16: {  	p0 =	sne.s32 s13, $0x1;
	_ =	swait.ge [sflag:s11], $0x8000  }
.Ltmp0:
0x17: {  	[sflag:s11] =	ssyncset.done $0x0;
	(pc) =	sbr.rel @!p0 .LBB2_2-.Ltmp0, $4  }
0x18: {  	s12 =	sadd.s32 $0x1D800, s12;
	[sflag:s11] =	ssyncadd.s32 $0xFFFF8000  }
0x19: {  	[hbm4b:s12+s3] =	stream.linear.scatter [tilespmem:s8], [sflag:$0x3], $0x8000, $0x38;
	[tilespmem:$0x9100] =	vst v63  }
0x1a: {  	_ =	swait.ge [sflag:s4], $0x8000  }
0x1b: {  	s13 =	sadd.s32 $0xFFFFFFFF, s13;
	[sflag:s4] =	ssyncset.done $0x0  }
.LBB2_1:
0x1c: {  	p0 =	sne.s32 s13, $0x1;
	s13 =	sadd.s32 $0xFFFFFFFF, s13;
	[sflag:s4] =	ssyncadd.s32 $0xFFFF8000  }
0x1d: {  	[tilespmem:s3], [sflag:$0x3] =	stream.linear.gather [hbm4b:s5+s3], $0x100, $0x38;
	[tilespmem:$0x9100] =	vst v63  }
0x1e: {  	_ =	swait.ge [sflag:s4], $0x100  }
0x1f: {  	[sflag:s4] =	ssyncset.done $0x0  }
0x20: {  	[sflag:s4] =	ssyncadd.s32 $0xFFFFFF00  }
0x21: {  	[tilespmem:s7], [sflag:$0x1] =	stream.indirect.gather [hbm4b:s6+s7], $0x10, s3, s7, $0xb8;
	[tilespmem:$0x9100] =	vst v63  }
0x22: {  	_ = 	snop  }
0x23: {  	[tilespmem:s8], [sflag:$0x2] =	stream.indirect.gather [hbm4b:s1+s7], $0x80, s3, s7, $0xb8;
	[tilespmem:$0x9100] =	vst v63  }
0x24: {  	_ =	swait.ge [sflag:s9], $0x1000  }
0x25: {  	[sflag:s9] =	ssyncset.done $0x0  }
0x26: {  	[sflag:s9] =	ssyncadd.s32 $0xFFFFF000  }
0x27: {  	[hbm4b:s10+s3] =	stream.linear.scatter [tilespmem:s7], [sflag:$0x3], $0x1000, $0x38;
	[tilespmem:$0x9100] =	vst v63  }
0x28: {  	_ =	swait.ge [sflag:s4], $0x1000  }
0x29: {  	[sflag:s4] =	ssyncset.done $0x0  }
0x2a: {  	[sflag:s4] =	ssyncadd.s32 $0xFFFFF000  }
0x2b: {  	_ =	swait.ge [sflag:s11], $0x8000  }
.Ltmp1:
0x2c: {  	[sflag:s11] =	ssyncset.done $0x0;
	(pc) =	sbr.rel @p0 .LBB2_1-.Ltmp1, $4  }
0x2d: {  	[sflag:s11] =	ssyncadd.s32 $0xFFFF8000  }
0x2e: {  	[hbm4b:s12+s3] =	stream.linear.scatter [tilespmem:s8], [sflag:$0x3], $0x8000, $0x38;
	[tilespmem:$0x9100] =	vst v63  }
0x2f: {  	_ =	swait.ge [sflag:s4], $0x8000  }
0x30: {  	[sflag:s4] =	ssyncset.done $0x0  }
.LBB2_2:
0x31: {  	[sflag:s4] =	ssyncadd.s32 $0xFFFF8000  }
0x32: {  	_ =	sfence.sel $0x180000  }
0x33: {  	[bflag:$0x0] =	sbarrier.arrive $0xFFFF  }
0x34: {  	p0 =	sne.s32 s0, $0x0;
	_ =	strace $0x90000047  }
0x35: {  	s0 =	sadd.s32 @!p0 $0x100000, s2;
	[bflag:$0x2] =	sbarrier.arrive $0xFFFF  }
0x36: {  	[sflag:s0] =	ssyncadd.tile.s32 @!p0 $0x1;
	_ =	shalt  }
.Lfunc_end2:
_tile_overlayer_lowered:
.L_overlay_start_2:
0x37: {  	(tag) =	ssettag $0x2  }
0x38: {  	s0 =	rddreg [dreg:$0x0];
	s2 =	stileid.u32  }
0x39: {  	s1 =	rddreg [dreg:$0x1];
	p0 =	sne.s32 s2, $0x0  }
0x3a: {  	s3 =	rddreg [dreg:$0x2];
	[bflag:$0x3] =	sbarrier.arrive $0xFFFF;
	s2 =	simm.s32 @!p0 $0x1C03  }
0x3b: {  	[timem:s3], [sflag:s2] =	dma.local @!p0 [hbm:s0], s1  }
0x3c: {  	s0 =	simm.s32 @!p0 $0x3  }
0x3d: {  	_ =	swait.ge @!p0 [sflag:s0], s1  }
0x3e: {  	s1 =	ssub.s32 @!p0 $0x0, s1;
	[sflag:s0] =	ssyncset.done @!p0 $0x0  }
0x3f: {  	[sflag:s0] =	ssyncadd.s32 @!p0 s1  }
0x40: {  	[bflag:$0x3] =	sbarrier.arrive $0xFFFF  }
0x41: {  	_ =	shalt  }

</sc_bundles>
